<compile_context>
chip_gen: v7x
topology: tpu7x:2x2x1
jax: 0.10.2.dev20260603
libtpu: 0.0.44.dev20260713+nightly
codegen_flags: <defaults>
</compile_context>

<pallas_src>
import math

import jax
import jax.numpy as jnp
from jax import lax
from jax.experimental import pallas as pl
from jax.experimental.pallas import tpu as pltpu
from jax.experimental.pallas import tpu_sc as plsc

NC = 2
NS = 16
NT = NC * NS
LANES = 16
CH = 64
GRP = 8


def _pack_bf16_pair(x):
    h = x.shape[1] // 2
    lo = lax.bitcast_convert_type(
        x[:, :h].astype(jnp.bfloat16), jnp.uint16).astype(jnp.uint32)
    hi = lax.bitcast_convert_type(
        x[:, h:].astype(jnp.bfloat16), jnp.uint16).astype(jnp.uint32)
    return lax.bitcast_convert_type(lo | (hi << 16), jnp.int32)


def _node_feat_body(x_ref, attr_ref, deg_ref, w_ref, nf_ref):
    x = x_ref[...]
    scale = attr_ref[...] * lax.rsqrt(deg_ref[...]) * (1.0 / math.sqrt(x.shape[1]))
    nf = jnp.dot(x, w_ref[...], preferred_element_type=jnp.float32) * scale
    nf_ref[...] = _pack_bf16_pair(nf)


def _edge_mlp_body(elb_ref, ea_ref, wr0_ref, wr1_ref, out_ref):
    nb = elb_ref.shape[1]
    h = jnp.dot(elb_ref[...], wr0_ref[...], preferred_element_type=jnp.float32)
    h = h * (1.0 / math.sqrt(nb))
    h = h * jax.nn.sigmoid(h)
    hdim = wr0_ref.shape[1]
    ew = jnp.dot(h, wr1_ref[...], preferred_element_type=jnp.float32)
    out_ref[...] = _pack_bf16_pair(ew * (ea_ref[...] * (1.0 / math.sqrt(hdim))))


def _final_body(x_ref, attr_ref, deg_ref, parts_ref, wm_ref, wo_ref, out_ref):
    c_s, c_x = math.sin(math.pi / 8), math.cos(math.pi / 8)
    d = x_ref.shape[1]
    attr = attr_ref[...] * (1.0 / math.sqrt(d))
    nm = jnp.dot(x_ref[...], wm_ref[...], preferred_element_type=jnp.float32) * attr
    nf2 = (parts_ref[0] + parts_ref[1]) * lax.rsqrt(deg_ref[...])
    no = jnp.dot(nf2, wo_ref[...], preferred_element_type=jnp.float32) * attr
    out_ref[...] = c_s * nm + c_x * no


def _make_sc_body(n_pad, d, ept, k_chunks):
    rps = n_pad // NS
    half = d // 2

    def body(nf_hbm, ewp_hbm, src_hbm, dst_hbm, out_hbm,
             acc, ew_v, g_v, p_v, src_v, dst_v, sem_ew, sem_g, sem_sc):
        c = lax.axis_index("c")
        s = lax.axis_index("s")
        tile = c * NS + s

        def stage_idx(grp_i):
            gb = (grp_i // GRP) % 2
            g0 = pl.multiple_of(grp_i, GRP)
            pltpu.sync_copy(src_hbm.at[tile, pl.ds(g0, GRP)], src_v.at[gb])
            pltpu.sync_copy(dst_hbm.at[tile, pl.ds(g0, GRP)], dst_v.at[gb])

        def issue_ew(t):
            b = t % 2
            e0 = tile * ept + t * CH
            pltpu.async_copy(ewp_hbm.at[pl.ds(e0, CH)], ew_v.at[b], sem_ew.at[b])

        def wait_ew(t):
            b = t % 2
            pltpu.make_async_copy(
                ewp_hbm.at[pl.ds(0, CH)], ew_v.at[b], sem_ew.at[b]).wait()

        def issue_gather(t):
            b = t % 2
            idx = src_v.at[(t // GRP) % 2, t % GRP]
            pltpu.async_copy(nf_hbm.at[idx], g_v.at[b], sem_g.at[b])

        def wait_gather(t):
            b = t % 2
            pltpu.make_async_copy(
                nf_hbm.at[src_v.at[0, 0]], g_v.at[b], sem_g.at[b]).wait()

        def issue_scatter(t):
            b = t % 2
            idx = dst_v.at[(t // GRP) % 2, t % GRP]
            pltpu.async_copy(p_v.at[b], acc.at[idx], sem_sc.at[b], add=True)

        def wait_scatter(b):
            pltpu.make_async_copy(
                p_v.at[b], acc.at[dst_v.at[0, 0]], sem_sc.at[b]).wait()

        def zrow(r, carry):
            for cc in range(d // LANES):
                p_v[0, r, pl.ds(cc * LANES, LANES)] = jnp.zeros(
                    (LANES,), jnp.float32)
            return carry
        lax.fori_loop(0, CH, zrow, 0)
        row0 = s * rps
        for kk in range(rps // CH):
            pltpu.sync_copy(p_v.at[0], acc.at[pl.ds(row0 + kk * CH, CH)])
        rem = rps % CH
        if rem:
            pltpu.sync_copy(p_v.at[0, pl.ds(0, rem)],
                            acc.at[pl.ds(row0 + (rps // CH) * CH, rem)])
        plsc.subcore_barrier()

        stage_idx(0)
        issue_ew(0)
        issue_gather(0)
        mask = jnp.int32(-65536)

        def step(j, carry):
            t = j + 1

            @pl.when(t < k_chunks)
            def _():
                @pl.when(lax.rem(t, GRP) == 0)
                def _():
                    stage_idx(t)
                issue_ew(t)
                issue_gather(t)

            wait_ew(j)
            wait_gather(j)

            @pl.when(j >= 2)
            def _():
                wait_scatter(j % 2)
            b2 = j % 2

            @plsc.parallel_loop(0, CH, 1, unroll=2)
            def mrow(r):
                for g16 in range(half // LANES):
                    lo_sl = pl.ds(g16 * LANES, LANES)
                    hi_sl = pl.ds(half + g16 * LANES, LANES)
                    ew = ew_v[b2, r, lo_sl]
                    gw = g_v[b2, r, lo_sl]
                    elo = lax.bitcast_convert_type(ew << 16, jnp.float32)
                    ehi = lax.bitcast_convert_type(ew & mask, jnp.float32)
                    glo = lax.bitcast_convert_type(gw << 16, jnp.float32)
                    ghi = lax.bitcast_convert_type(gw & mask, jnp.float32)
                    p_v[b2, r, lo_sl] = glo * elo
                    p_v[b2, r, hi_sl] = ghi * ehi

            issue_scatter(j)
            return carry
        lax.fori_loop(0, k_chunks, step, 0)
        for b in range(2):
            wait_scatter(b)

        plsc.subcore_barrier()
        pltpu.sync_copy(acc.at[pl.ds(row0, rps)], out_hbm.at[c, pl.ds(row0, rps)])

    return body


def kernel(node_input, node_attr, node_deg, edge_src, edge_dst, edge_attr,
           edge_length_embedded, numb, n, W_in, W_mask, W_r0, W_r1, W_out):
    n_nodes, d = node_input.shape
    e = edge_src.shape[0]
    nb = edge_length_embedded.shape[1]

    bn = 1000
    nf = pl.pallas_call(
        _node_feat_body,
        grid=(n_nodes // bn,),
        in_specs=[
            pl.BlockSpec((bn, d), lambda i: (i, 0)),
            pl.BlockSpec((bn, 1), lambda i: (i, 0)),
            pl.BlockSpec((bn, 1), lambda i: (i, 0)),
            pl.BlockSpec((d, d), lambda i: (0, 0)),
        ],
        out_specs=pl.BlockSpec((bn, d // 2), lambda i: (i, 0)),
        out_shape=jax.ShapeDtypeStruct((n_nodes, d // 2), jnp.int32),
    )(node_input, node_attr, node_deg, W_in)

    align = max(256, CH * GRP)
    ept = ((e + NT * align - 1) // (NT * align)) * align
    k_chunks = ept // CH
    e_pad = NT * ept
    pad = e_pad - e
    elb_p = jnp.concatenate(
        [edge_length_embedded, jnp.zeros((pad, nb), jnp.float32)])
    ea_p = jnp.concatenate([edge_attr, jnp.zeros((pad, 1), jnp.float32)])
    src_r = jnp.concatenate(
        [edge_src, jnp.zeros((pad,), jnp.int32)]).reshape(NT, k_chunks, CH)
    dst_r = jnp.concatenate(
        [edge_dst, jnp.zeros((pad,), jnp.int32)]).reshape(NT, k_chunks, CH)

    be = 8192
    hdim = W_r0.shape[1]
    ewp = pl.pallas_call(
        _edge_mlp_body,
        grid=(e_pad // be,),
        in_specs=[
            pl.BlockSpec((be, nb), lambda i: (i, 0)),
            pl.BlockSpec((be, 1), lambda i: (i, 0)),
            pl.BlockSpec((nb, hdim), lambda i: (0, 0)),
            pl.BlockSpec((hdim, d), lambda i: (0, 0)),
        ],
        out_specs=pl.BlockSpec((be, d // 2), lambda i: (i, 0)),
        out_shape=jax.ShapeDtypeStruct((e_pad, d // 2), jnp.int32),
    )(elb_p, ea_p, W_r0, W_r1)

    n_pad = ((n_nodes + NS * 8 - 1) // (NS * 8)) * (NS * 8)
    mesh = plsc.VectorSubcoreMesh(core_axis_name="c", subcore_axis_name="s")
    parts = pl.kernel(
        _make_sc_body(n_pad, d, ept, k_chunks),
        out_type=jax.ShapeDtypeStruct((NC, n_pad, d), jnp.float32),
        mesh=mesh,
        compiler_params=pltpu.CompilerParams(use_tc_tiling_on_sc=False),
        scratch_types=[
            pltpu.VMEM_SHARED((n_pad, d), jnp.float32),
            pltpu.VMEM((2, CH, d // 2), jnp.int32),
            pltpu.VMEM((2, CH, d // 2), jnp.int32),
            pltpu.VMEM((2, CH, d), jnp.float32),
            pltpu.VMEM((2, GRP, CH), jnp.int32),
            pltpu.VMEM((2, GRP, CH), jnp.int32),
            pltpu.SemaphoreType.DMA((2,)),
            pltpu.SemaphoreType.DMA((2,)),
            pltpu.SemaphoreType.DMA((2,)),
        ],
    )(nf, ewp, src_r, dst_r)

    out = pl.pallas_call(
        _final_body,
        grid=(n_nodes // bn,),
        in_specs=[
            pl.BlockSpec((bn, d), lambda i: (i, 0)),
            pl.BlockSpec((bn, 1), lambda i: (i, 0)),
            pl.BlockSpec((bn, 1), lambda i: (i, 0)),
            pl.BlockSpec((NC, bn, d), lambda i: (0, i, 0)),
            pl.BlockSpec((d, d), lambda i: (0, 0)),
            pl.BlockSpec((d, d), lambda i: (0, 0)),
        ],
        out_specs=pl.BlockSpec((bn, d), lambda i: (i, 0)),
        out_shape=jax.ShapeDtypeStruct((n_nodes, d), jnp.float32),
    )(node_input, node_attr, node_deg, parts, W_mask, W_out)
    return out

# --- scband reference (transcript-rebuilt; emitter-appended) ---
"""Pipeline reference for scband-graph-convolution-31439160607139 (READ-ONLY COPY).

The authoritative reference and input builder live on the scoring server;
editing this copy changes nothing except your own understanding.
"""

import jax, jax.numpy as jnp
import numpy as np
import math

N = 10000
E = 320000
D = 128
NB = 10
H = 100


def setup_inputs(seed: int = 0) -> dict:
    key = jax.random.key(seed)
    ks = jax.random.split(key, 11)
    node_input = jax.random.normal(ks[0], (N, D), dtype=jnp.float32)
    node_attr = jax.random.normal(ks[1], (N, 1), dtype=jnp.float32)
    node_deg = jnp.ones((N, 1), dtype=jnp.float32)
    edge_src = jax.random.randint(ks[2], (E,), 0, N, dtype=jnp.int32)
    edge_dst = jax.random.randint(ks[3], (E,), 0, N, dtype=jnp.int32)
    edge_attr = jax.random.normal(ks[4], (E, 1), dtype=jnp.float32)
    edge_length_embedded = jax.random.uniform(ks[5], (E, NB), dtype=jnp.float32)
    # learned parameters (scalar-irreps tensor products reduce to attr-gated linear maps)
    W_in = jax.random.normal(ks[6], (D, D), dtype=jnp.float32)
    W_mask = jax.random.normal(ks[7], (D, D), dtype=jnp.float32)
    W_r0 = jax.random.normal(ks[8], (NB, H), dtype=jnp.float32)
    W_r1 = jax.random.normal(ks[9], (H, D), dtype=jnp.float32)
    W_out = jax.random.normal(ks[10], (D, D), dtype=jnp.float32)
    return dict(node_input=node_input, node_attr=node_attr, node_deg=node_deg,
                edge_src=edge_src, edge_dst=edge_dst, edge_attr=edge_attr,
                edge_length_embedded=edge_length_embedded, numb=1, n=N,
                W_in=W_in, W_mask=W_mask, W_r0=W_r0, W_r1=W_r1, W_out=W_out)


def _fctp(x, attr, W):
    # FullyConnectedTensorProduct for (mul x 0e) x (1x0e) -> (mul x 0e):
    # path-normalized linear map gated by the scalar node attribute
    return (x @ W) * attr / jnp.sqrt(jnp.float32(W.shape[0]))


def reference(node_input, node_attr, node_deg, edge_src, edge_dst, edge_attr,
              edge_length_embedded, numb, n, W_in, W_mask, W_r0, W_r1, W_out):
    node_input_features = _fctp(node_input, node_attr, W_in)
    node_features = node_input_features / jnp.power(node_deg, 0.5)
    node_mask = _fctp(node_input, node_attr, W_mask)
    # edge2weight: FullyConnectedNet([NB, H, weight_numel]) with silu on hidden layers
    h = jax.nn.silu(edge_length_embedded @ W_r0 / jnp.sqrt(jnp.float32(NB)))
    edge_weight = h @ W_r1 / jnp.sqrt(jnp.float32(H))  # [E, D] per-edge uvu weights
    # tensor_edge ('uvu', shared_weights=False, scalar irreps): elementwise gather-product
    edge_features = node_features[edge_src] * edge_attr * edge_weight
    node_feats = jax.ops.segment_sum(edge_features, edge_dst, num_segments=node_input.shape[0])
    node_feats = node_feats / jnp.power(node_deg, 0.5)
    node_output = _fctp(node_feats, node_attr, W_out)
    c_s, c_x = math.sin(math.pi / 8), math.cos(math.pi / 8)
    # all scalar output channels have paths -> output_mask == 1 -> c_x stays cos(pi/8)
    return c_s * node_mask + c_x * node_output

if __name__ == "__main__":
    import jax
    _d = setup_inputs()
    print(jax.jit(kernel)(*tuple(_d.values())))

</pallas_src>

<mosaic_0001>
#map = affine_map<(d0, d1) -> (0, 0)>
#map1 = affine_map<(d0, d1) -> (0, 0, 0)>
module attributes {stable_mosaic.version = 14 : i64} {
  func.func @body(%arg0: i32, %arg1: i32, %arg2: memref<10000x64xi32, #tpu.memory_space<hbm>>, %arg3: memref<327680x64xi32, #tpu.memory_space<hbm>>, %arg4: memref<32x160x64xi32, #tpu.memory_space<hbm>>, %arg5: memref<32x160x64xi32, #tpu.memory_space<hbm>>, %arg6: memref<2x10112x128xf32, #tpu.memory_space<hbm>>, %arg7: memref<10112x128xf32, #tpu.memory_space<vmem_shared>>, %arg8: memref<2x64x64xi32, #tpu.memory_space<vmem>>, %arg9: memref<2x64x64xi32, #tpu.memory_space<vmem>>, %arg10: memref<2x64x128xf32, #tpu.memory_space<vmem>>, %arg11: memref<2x8x64xi32, #tpu.memory_space<vmem>>, %arg12: memref<2x8x64xi32, #tpu.memory_space<vmem>>, %arg13: memref<2x!tpu.dma_semaphore, #tpu.memory_space<semaphore_mem>>, %arg14: memref<2x!tpu.dma_semaphore, #tpu.memory_space<semaphore_mem>>, %arg15: memref<2x!tpu.dma_semaphore, #tpu.memory_space<semaphore_mem>>) attributes {dimension_semantics = [#tpu.dimension_semantics<core_parallel>, #tpu.dimension_semantics<subcore_parallel>], iteration_bounds = array<i64: 2, 16>, scalar_prefetch = 0 : i64, scratch_operands = 9 : i64, tpu.core_type = #tpu.core_type<sc_vector_subcore>, window_params = [{transform_indices = #map}, {transform_indices = #map}, {transform_indices = #map1}, {transform_indices = #map1}, {transform_indices = #map1}]} {
    %mul3A = arith.constant 16 : i32
    %mul3A_0 = arith.muli %arg0, %mul3A : i32
    %add3A = arith.addi %mul3A_0, %arg1 : i32
    %scan3A = arith.constant 0 : i32
    %scan3A_1 = arith.constant 0 : i32
    %scan3A_2 = arith.constant 64 : i32
    %scan3A_3 = arith.addi %scan3A_1, %scan3A_2 : i32
    %scan3A_4 = arith.constant 1 : i32
    scf.for %scan3A_114 = %scan3A_1 to %scan3A_3 step %scan3A_4  : i32 {
      %broadcast_in_dim3A = arith.constant 0.000000e+00 : f32
      %broadcast_in_dim3A_115 = vector.broadcast %broadcast_in_dim3A : f32 to vector<16xf32>
      %swap3A = arith.constant 0 : i32
      %swap3A_116 = arith.index_cast %swap3A : i32 to index
      %swap3A_117 = arith.index_cast %scan3A_114 : i32 to index
      %swap3A_118 = arith.constant 0 : index
      %swap3A_119 = tpu.vector_load %arg10[%swap3A_116, %swap3A_117, %swap3A_118] {strides = array<i32>} : memref<2x64x128xf32, #tpu.memory_space<vmem>>, vector<1x1x16xf32>,
      %swap3A_120 = vector.shape_cast %swap3A_119 : vector<1x1x16xf32> to vector<16xf32>
      %swap3A_121 = vector.shape_cast %broadcast_in_dim3A_115 : vector<16xf32> to vector<1x1x16xf32>
      tpu.vector_store %arg10[%swap3A_116, %swap3A_117, %swap3A_118], %swap3A_121 {strides = array<i32>} : memref<2x64x128xf32, #tpu.memory_space<vmem>>, vector<1x1x16xf32>,
      %broadcast_in_dim3A_122 = arith.constant 0.000000e+00 : f32
      %broadcast_in_dim3A_123 = vector.broadcast %broadcast_in_dim3A_122 : f32 to vector<16xf32>
      %swap3A_124 = arith.constant 0 : i32
      %swap3A_125 = arith.index_cast %swap3A_124 : i32 to index
      %swap3A_126 = arith.index_cast %scan3A_114 : i32 to index
      %swap3A_127 = arith.constant 16 : index
      %swap3A_128 = tpu.vector_load %arg10[%swap3A_125, %swap3A_126, %swap3A_127] {strides = array<i32>} : memref<2x64x128xf32, #tpu.memory_space<vmem>>, vector<1x1x16xf32>,
      %swap3A_129 = vector.shape_cast %swap3A_128 : vector<1x1x16xf32> to vector<16xf32>
      %swap3A_130 = vector.shape_cast %broadcast_in_dim3A_123 : vector<16xf32> to vector<1x1x16xf32>
      tpu.vector_store %arg10[%swap3A_125, %swap3A_126, %swap3A_127], %swap3A_130 {strides = array<i32>} : memref<2x64x128xf32, #tpu.memory_space<vmem>>, vector<1x1x16xf32>,
      %broadcast_in_dim3A_131 = arith.constant 0.000000e+00 : f32
      %broadcast_in_dim3A_132 = vector.broadcast %broadcast_in_dim3A_131 : f32 to vector<16xf32>
      %swap3A_133 = arith.constant 0 : i32
      %swap3A_134 = arith.index_cast %swap3A_133 : i32 to index
      %swap3A_135 = arith.index_cast %scan3A_114 : i32 to index
      %swap3A_136 = arith.constant 32 : index
      %swap3A_137 = tpu.vector_load %arg10[%swap3A_134, %swap3A_135, %swap3A_136] {strides = array<i32>} : memref<2x64x128xf32, #tpu.memory_space<vmem>>, vector<1x1x16xf32>,
      %swap3A_138 = vector.shape_cast %swap3A_137 : vector<1x1x16xf32> to vector<16xf32>
      %swap3A_139 = vector.shape_cast %broadcast_in_dim3A_132 : vector<16xf32> to vector<1x1x16xf32>
      tpu.vector_store %arg10[%swap3A_134, %swap3A_135, %swap3A_136], %swap3A_139 {strides = array<i32>} : memref<2x64x128xf32, #tpu.memory_space<vmem>>, vector<1x1x16xf32>,
      %broadcast_in_dim3A_140 = arith.constant 0.000000e+00 : f32
      %broadcast_in_dim3A_141 = vector.broadcast %broadcast_in_dim3A_140 : f32 to vector<16xf32>
      %swap3A_142 = arith.constant 0 : i32
      %swap3A_143 = arith.index_cast %swap3A_142 : i32 to index
      %swap3A_144 = arith.index_cast %scan3A_114 : i32 to index
      %swap3A_145 = arith.constant 48 : index
      %swap3A_146 = tpu.vector_load %arg10[%swap3A_143, %swap3A_144, %swap3A_145] {strides = array<i32>} : memref<2x64x128xf32, #tpu.memory_space<vmem>>, vector<1x1x16xf32>,
      %swap3A_147 = vector.shape_cast %swap3A_146 : vector<1x1x16xf32> to vector<16xf32>
      %swap3A_148 = vector.shape_cast %broadcast_in_dim3A_141 : vector<16xf32> to vector<1x1x16xf32>
      tpu.vector_store %arg10[%swap3A_143, %swap3A_144, %swap3A_145], %swap3A_148 {strides = array<i32>} : memref<2x64x128xf32, #tpu.memory_space<vmem>>, vector<1x1x16xf32>,
      %broadcast_in_dim3A_149 = arith.constant 0.000000e+00 : f32
      %broadcast_in_dim3A_150 = vector.broadcast %broadcast_in_dim3A_149 : f32 to vector<16xf32>
      %swap3A_151 = arith.constant 0 : i32
      %swap3A_152 = arith.index_cast %swap3A_151 : i32 to index
      %swap3A_153 = arith.index_cast %scan3A_114 : i32 to index
      %swap3A_154 = arith.constant 64 : index
      %swap3A_155 = tpu.vector_load %arg10[%swap3A_152, %swap3A_153, %swap3A_154] {strides = array<i32>} : memref<2x64x128xf32, #tpu.memory_space<vmem>>, vector<1x1x16xf32>,
      %swap3A_156 = vector.shape_cast %swap3A_155 : vector<1x1x16xf32> to vector<16xf32>
      %swap3A_157 = vector.shape_cast %broadcast_in_dim3A_150 : vector<16xf32> to vector<1x1x16xf32>
      tpu.vector_store %arg10[%swap3A_152, %swap3A_153, %swap3A_154], %swap3A_157 {strides = array<i32>} : memref<2x64x128xf32, #tpu.memory_space<vmem>>, vector<1x1x16xf32>,
      %broadcast_in_dim3A_158 = arith.constant 0.000000e+00 : f32
      %broadcast_in_dim3A_159 = vector.broadcast %broadcast_in_dim3A_158 : f32 to vector<16xf32>
      %swap3A_160 = arith.constant 0 : i32
      %swap3A_161 = arith.index_cast %swap3A_160 : i32 to index
      %swap3A_162 = arith.index_cast %scan3A_114 : i32 to index
      %swap3A_163 = arith.constant 80 : index
      %swap3A_164 = tpu.vector_load %arg10[%swap3A_161, %swap3A_162, %swap3A_163] {strides = array<i32>} : memref<2x64x128xf32, #tpu.memory_space<vmem>>, vector<1x1x16xf32>,
      %swap3A_165 = vector.shape_cast %swap3A_164 : vector<1x1x16xf32> to vector<16xf32>
      %swap3A_166 = vector.shape_cast %broadcast_in_dim3A_159 : vector<16xf32> to vector<1x1x16xf32>
      tpu.vector_store %arg10[%swap3A_161, %swap3A_162, %swap3A_163], %swap3A_166 {strides = array<i32>} : memref<2x64x128xf32, #tpu.memory_space<vmem>>, vector<1x1x16xf32>,
      %broadcast_in_dim3A_167 = arith.constant 0.000000e+00 : f32
      %broadcast_in_dim3A_168 = vector.broadcast %broadcast_in_dim3A_167 : f32 to vector<16xf32>
      %swap3A_169 = arith.constant 0 : i32
      %swap3A_170 = arith.index_cast %swap3A_169 : i32 to index
      %swap3A_171 = arith.index_cast %scan3A_114 : i32 to index
      %swap3A_172 = arith.constant 96 : index
      %swap3A_173 = tpu.vector_load %arg10[%swap3A_170, %swap3A_171, %swap3A_172] {strides = array<i32>} : memref<2x64x128xf32, #tpu.memory_space<vmem>>, vector<1x1x16xf32>,
      %swap3A_174 = vector.shape_cast %swap3A_173 : vector<1x1x16xf32> to vector<16xf32>
      %swap3A_175 = vector.shape_cast %broadcast_in_dim3A_168 : vector<16xf32> to vector<1x1x16xf32>
      tpu.vector_store %arg10[%swap3A_170, %swap3A_171, %swap3A_172], %swap3A_175 {strides = array<i32>} : memref<2x64x128xf32, #tpu.memory_space<vmem>>, vector<1x1x16xf32>,
      %broadcast_in_dim3A_176 = arith.constant 0.000000e+00 : f32
      %broadcast_in_dim3A_177 = vector.broadcast %broadcast_in_dim3A_176 : f32 to vector<16xf32>
      %swap3A_178 = arith.constant 0 : i32
      %swap3A_179 = arith.index_cast %swap3A_178 : i32 to index
      %swap3A_180 = arith.index_cast %scan3A_114 : i32 to index
      %swap3A_181 = arith.constant 112 : index
      %swap3A_182 = tpu.vector_load %arg10[%swap3A_179, %swap3A_180, %swap3A_181] {strides = array<i32>} : memref<2x64x128xf32, #tpu.memory_space<vmem>>, vector<1x1x16xf32>,
      %swap3A_183 = vector.shape_cast %swap3A_182 : vector<1x1x16xf32> to vector<16xf32>
      %swap3A_184 = vector.shape_cast %broadcast_in_dim3A_177 : vector<16xf32> to vector<1x1x16xf32>
      tpu.vector_store %arg10[%swap3A_179, %swap3A_180, %swap3A_181], %swap3A_184 {strides = array<i32>} : memref<2x64x128xf32, #tpu.memory_space<vmem>>, vector<1x1x16xf32>,
    }
    %scan3A_5 = arith.constant 64 : i32
    %mul3A_6 = arith.constant 632 : i32
    %mul3A_7 = arith.muli %arg1, %mul3A_6 : i32
    %add3A_8 = arith.constant 0 : i32
    %add3A_9 = arith.addi %mul3A_7, %add3A_8 : i32
    %run_scoped3A = arith.constant 0 : i32
    "tpu.region"() ({
      %run_scoped3A_114 = tpu.sem_alloc : memref<!tpu.dma_semaphore, #tpu.memory_space<semaphore_mem>>
      %dma_start3A_115 = arith.constant 0 : i32
      %dma_start3A_116 = arith.constant 0 : i32
      %dma_start3A_117 = tpu.memref_slice %arg10[%run_scoped3A, %dma_start3A_115, %dma_start3A_116] : memref<2x64x128xf32, #tpu.memory_space<vmem>> -> memref<1x64x128xf32, #tpu.memory_space<vmem>>
      %dma_start3A_118 = tpu.memref_squeeze %dma_start3A_117 : memref<1x64x128xf32, #tpu.memory_space<vmem>> -> memref<64x128xf32, #tpu.memory_space<vmem>>
      %dma_start3A_119 = arith.constant 0 : i32
      %dma_start3A_120 = tpu.memref_slice %arg7[%add3A_9, %dma_start3A_119] : memref<10112x128xf32, #tpu.memory_space<vmem_shared>> -> memref<64x128xf32, #tpu.memory_space<vmem_shared>>
      %dma_start3A_121 = arith.constant 0 : i32
      %dma_start3A_122 = tpu.memref_slice %arg7[%add3A_9, %dma_start3A_121] : memref<10112x128xf32, #tpu.memory_space<vmem_shared>> -> memref<64x128xf32, #tpu.memory_space<vmem_shared>>
      %dma_start3A_123 = arith.constant 0 : i32
      %dma_start3A_124 = arith.constant 0 : i32
      %dma_start3A_125 = tpu.memref_slice %arg10[%run_scoped3A, %dma_start3A_123, %dma_start3A_124] : memref<2x64x128xf32, #tpu.memory_space<vmem>> -> memref<1x64x128xf32, #tpu.memory_space<vmem>>
      %dma_start3A_126 = tpu.memref_squeeze %dma_start3A_125 : memref<1x64x128xf32, #tpu.memory_space<vmem>> -> memref<64x128xf32, #tpu.memory_space<vmem>>
      tpu.enqueue_dma source(%dma_start3A_126 : memref<64x128xf32, #tpu.memory_space<vmem>>) target(%dma_start3A_122 : memref<64x128xf32, #tpu.memory_space<vmem_shared>>) target_semaphore(%run_scoped3A_114 : memref<!tpu.dma_semaphore, #tpu.memory_space<semaphore_mem>>)
      %dma_wait3A_127 = arith.constant 0 : i32
      %dma_wait3A_128 = arith.constant 0 : i32
      %dma_wait3A_129 = tpu.memref_slice %arg10[%run_scoped3A, %dma_wait3A_127, %dma_wait3A_128] : memref<2x64x128xf32, #tpu.memory_space<vmem>> -> memref<1x64x128xf32, #tpu.memory_space<vmem>>
      %dma_wait3A_130 = tpu.memref_squeeze %dma_wait3A_129 : memref<1x64x128xf32, #tpu.memory_space<vmem>> -> memref<64x128xf32, #tpu.memory_space<vmem>>
      %dma_wait3A_131 = arith.constant 0 : i32
      %dma_wait3A_132 = tpu.memref_slice %arg7[%add3A_9, %dma_wait3A_131] : memref<10112x128xf32, #tpu.memory_space<vmem_shared>> -> memref<64x128xf32, #tpu.memory_space<vmem_shared>>
      %dma_wait3A_133 = arith.constant 0 : i32
      %dma_wait3A_134 = tpu.memref_slice %arg7[%add3A_9, %dma_wait3A_133] : memref<10112x128xf32, #tpu.memory_space<vmem_shared>> -> memref<64x128xf32, #tpu.memory_space<vmem_shared>>
      %dma_wait3A_135 = arith.constant 0 : i32
      %dma_wait3A_136 = arith.constant 0 : i32
      %dma_wait3A_137 = tpu.memref_slice %arg10[%run_scoped3A, %dma_wait3A_135, %dma_wait3A_136] : memref<2x64x128xf32, #tpu.memory_space<vmem>> -> memref<1x64x128xf32, #tpu.memory_space<vmem>>
      %dma_wait3A_138 = tpu.memref_squeeze %dma_wait3A_137 : memref<1x64x128xf32, #tpu.memory_space<vmem>> -> memref<64x128xf32, #tpu.memory_space<vmem>>
      tpu.wait_dma2 semaphore(%run_scoped3A_114 : memref<!tpu.dma_semaphore, #tpu.memory_space<semaphore_mem>>) src(%dma_wait3A_138 : memref<64x128xf32, #tpu.memory_space<vmem>>) dst(%dma_wait3A_134 : memref<64x128xf32, #tpu.memory_space<vmem_shared>>)
      tpu.yield
    }) : () -> ()
    %add3A_10 = arith.constant 64 : i32
    %add3A_11 = arith.addi %mul3A_7, %add3A_10 : i32
    %run_scoped3A_12 = arith.constant 0 : i32
    "tpu.region"() ({
      %run_scoped3A_114 = tpu.sem_alloc : memref<!tpu.dma_semaphore, #tpu.memory_space<semaphore_mem>>
      %dma_start3A_115 = arith.constant 0 : i32
      %dma_start3A_116 = arith.constant 0 : i32
      %dma_start3A_117 = tpu.memref_slice %arg10[%run_scoped3A_12, %dma_start3A_115, %dma_start3A_116] : memref<2x64x128xf32, #tpu.memory_space<vmem>> -> memref<1x64x128xf32, #tpu.memory_space<vmem>>
      %dma_start3A_118 = tpu.memref_squeeze %dma_start3A_117 : memref<1x64x128xf32, #tpu.memory_space<vmem>> -> memref<64x128xf32, #tpu.memory_space<vmem>>
      %dma_start3A_119 = arith.constant 0 : i32
      %dma_start3A_120 = tpu.memref_slice %arg7[%add3A_11, %dma_start3A_119] : memref<10112x128xf32, #tpu.memory_space<vmem_shared>> -> memref<64x128xf32, #tpu.memory_space<vmem_shared>>
      %dma_start3A_121 = arith.constant 0 : i32
      %dma_start3A_122 = tpu.memref_slice %arg7[%add3A_11, %dma_start3A_121] : memref<10112x128xf32, #tpu.memory_space<vmem_shared>> -> memref<64x128xf32, #tpu.memory_space<vmem_shared>>
      %dma_start3A_123 = arith.constant 0 : i32
      %dma_start3A_124 = arith.constant 0 : i32
      %dma_start3A_125 = tpu.memref_slice %arg10[%run_scoped3A_12, %dma_start3A_123, %dma_start3A_124] : memref<2x64x128xf32, #tpu.memory_space<vmem>> -> memref<1x64x128xf32, #tpu.memory_space<vmem>>
      %dma_start3A_126 = tpu.memref_squeeze %dma_start3A_125 : memref<1x64x128xf32, #tpu.memory_space<vmem>> -> memref<64x128xf32, #tpu.memory_space<vmem>>
      tpu.enqueue_dma source(%dma_start3A_126 : memref<64x128xf32, #tpu.memory_space<vmem>>) target(%dma_start3A_122 : memref<64x128xf32, #tpu.memory_space<vmem_shared>>) target_semaphore(%run_scoped3A_114 : memref<!tpu.dma_semaphore, #tpu.memory_space<semaphore_mem>>)
      %dma_wait3A_127 = arith.constant 0 : i32
      %dma_wait3A_128 = arith.constant 0 : i32
      %dma_wait3A_129 = tpu.memref_slice %arg10[%run_scoped3A_12, %dma_wait3A_127, %dma_wait3A_128] : memref<2x64x128xf32, #tpu.memory_space<vmem>> -> memref<1x64x128xf32, #tpu.memory_space<vmem>>
      %dma_wait3A_130 = tpu.memref_squeeze %dma_wait3A_129 : memref<1x64x128xf32, #tpu.memory_space<vmem>> -> memref<64x128xf32, #tpu.memory_space<vmem>>
      %dma_wait3A_131 = arith.constant 0 : i32
      %dma_wait3A_132 = tpu.memref_slice %arg7[%add3A_11, %dma_wait3A_131] : memref<10112x128xf32, #tpu.memory_space<vmem_shared>> -> memref<64x128xf32, #tpu.memory_space<vmem_shared>>
      %dma_wait3A_133 = arith.constant 0 : i32
      %dma_wait3A_134 = tpu.memref_slice %arg7[%add3A_11, %dma_wait3A_133] : memref<10112x128xf32, #tpu.memory_space<vmem_shared>> -> memref<64x128xf32, #tpu.memory_space<vmem_shared>>
      %dma_wait3A_135 = arith.constant 0 : i32
      %dma_wait3A_136 = arith.constant 0 : i32
      %dma_wait3A_137 = tpu.memref_slice %arg10[%run_scoped3A_12, %dma_wait3A_135, %dma_wait3A_136] : memref<2x64x128xf32, #tpu.memory_space<vmem>> -> memref<1x64x128xf32, #tpu.memory_space<vmem>>
      %dma_wait3A_138 = tpu.memref_squeeze %dma_wait3A_137 : memref<1x64x128xf32, #tpu.memory_space<vmem>> -> memref<64x128xf32, #tpu.memory_space<vmem>>
      tpu.wait_dma2 semaphore(%run_scoped3A_114 : memref<!tpu.dma_semaphore, #tpu.memory_space<semaphore_mem>>) src(%dma_wait3A_138 : memref<64x128xf32, #tpu.memory_space<vmem>>) dst(%dma_wait3A_134 : memref<64x128xf32, #tpu.memory_space<vmem_shared>>)
      tpu.yield
    }) : () -> ()
    %add3A_13 = arith.constant 128 : i32
    %add3A_14 = arith.addi %mul3A_7, %add3A_13 : i32
    %run_scoped3A_15 = arith.constant 0 : i32
    "tpu.region"() ({
      %run_scoped3A_114 = tpu.sem_alloc : memref<!tpu.dma_semaphore, #tpu.memory_space<semaphore_mem>>
      %dma_start3A_115 = arith.constant 0 : i32
      %dma_start3A_116 = arith.constant 0 : i32
      %dma_start3A_117 = tpu.memref_slice %arg10[%run_scoped3A_15, %dma_start3A_115, %dma_start3A_116] : memref<2x64x128xf32, #tpu.memory_space<vmem>> -> memref<1x64x128xf32, #tpu.memory_space<vmem>>
      %dma_start3A_118 = tpu.memref_squeeze %dma_start3A_117 : memref<1x64x128xf32, #tpu.memory_space<vmem>> -> memref<64x128xf32, #tpu.memory_space<vmem>>
      %dma_start3A_119 = arith.constant 0 : i32
      %dma_start3A_120 = tpu.memref_slice %arg7[%add3A_14, %dma_start3A_119] : memref<10112x128xf32, #tpu.memory_space<vmem_shared>> -> memref<64x128xf32, #tpu.memory_space<vmem_shared>>
      %dma_start3A_121 = arith.constant 0 : i32
      %dma_start3A_122 = tpu.memref_slice %arg7[%add3A_14, %dma_start3A_121] : memref<10112x128xf32, #tpu.memory_space<vmem_shared>> -> memref<64x128xf32, #tpu.memory_space<vmem_shared>>
      %dma_start3A_123 = arith.constant 0 : i32
      %dma_start3A_124 = arith.constant 0 : i32
      %dma_start3A_125 = tpu.memref_slice %arg10[%run_scoped3A_15, %dma_start3A_123, %dma_start3A_124] : memref<2x64x128xf32, #tpu.memory_space<vmem>> -> memref<1x64x128xf32, #tpu.memory_space<vmem>>
      %dma_start3A_126 = tpu.memref_squeeze %dma_start3A_125 : memref<1x64x128xf32, #tpu.memory_space<vmem>> -> memref<64x128xf32, #tpu.memory_space<vmem>>
      tpu.enqueue_dma source(%dma_start3A_126 : memref<64x128xf32, #tpu.memory_space<vmem>>) target(%dma_start3A_122 : memref<64x128xf32, #tpu.memory_space<vmem_shared>>) target_semaphore(%run_scoped3A_114 : memref<!tpu.dma_semaphore, #tpu.memory_space<semaphore_mem>>)
      %dma_wait3A_127 = arith.constant 0 : i32
      %dma_wait3A_128 = arith.constant 0 : i32
      %dma_wait3A_129 = tpu.memref_slice %arg10[%run_scoped3A_15, %dma_wait3A_127, %dma_wait3A_128] : memref<2x64x128xf32, #tpu.memory_space<vmem>> -> memref<1x64x128xf32, #tpu.memory_space<vmem>>
      %dma_wait3A_130 = tpu.memref_squeeze %dma_wait3A_129 : memref<1x64x128xf32, #tpu.memory_space<vmem>> -> memref<64x128xf32, #tpu.memory_space<vmem>>
      %dma_wait3A_131 = arith.constant 0 : i32
      %dma_wait3A_132 = tpu.memref_slice %arg7[%add3A_14, %dma_wait3A_131] : memref<10112x128xf32, #tpu.memory_space<vmem_shared>> -> memref<64x128xf32, #tpu.memory_space<vmem_shared>>
      %dma_wait3A_133 = arith.constant 0 : i32
      %dma_wait3A_134 = tpu.memref_slice %arg7[%add3A_14, %dma_wait3A_133] : memref<10112x128xf32, #tpu.memory_space<vmem_shared>> -> memref<64x128xf32, #tpu.memory_space<vmem_shared>>
      %dma_wait3A_135 = arith.constant 0 : i32
      %dma_wait3A_136 = arith.constant 0 : i32
      %dma_wait3A_137 = tpu.memref_slice %arg10[%run_scoped3A_15, %dma_wait3A_135, %dma_wait3A_136] : memref<2x64x128xf32, #tpu.memory_space<vmem>> -> memref<1x64x128xf32, #tpu.memory_space<vmem>>
      %dma_wait3A_138 = tpu.memref_squeeze %dma_wait3A_137 : memref<1x64x128xf32, #tpu.memory_space<vmem>> -> memref<64x128xf32, #tpu.memory_space<vmem>>
      tpu.wait_dma2 semaphore(%run_scoped3A_114 : memref<!tpu.dma_semaphore, #tpu.memory_space<semaphore_mem>>) src(%dma_wait3A_138 : memref<64x128xf32, #tpu.memory_space<vmem>>) dst(%dma_wait3A_134 : memref<64x128xf32, #tpu.memory_space<vmem_shared>>)
      tpu.yield
    }) : () -> ()
    %add3A_16 = arith.constant 192 : i32
    %add3A_17 = arith.addi %mul3A_7, %add3A_16 : i32
    %run_scoped3A_18 = arith.constant 0 : i32
    "tpu.region"() ({
      %run_scoped3A_114 = tpu.sem_alloc : memref<!tpu.dma_semaphore, #tpu.memory_space<semaphore_mem>>
      %dma_start3A_115 = arith.constant 0 : i32
      %dma_start3A_116 = arith.constant 0 : i32
      %dma_start3A_117 = tpu.memref_slice %arg10[%run_scoped3A_18, %dma_start3A_115, %dma_start3A_116] : memref<2x64x128xf32, #tpu.memory_space<vmem>> -> memref<1x64x128xf32, #tpu.memory_space<vmem>>
      %dma_start3A_118 = tpu.memref_squeeze %dma_start3A_117 : memref<1x64x128xf32, #tpu.memory_space<vmem>> -> memref<64x128xf32, #tpu.memory_space<vmem>>
      %dma_start3A_119 = arith.constant 0 : i32
      %dma_start3A_120 = tpu.memref_slice %arg7[%add3A_17, %dma_start3A_119] : memref<10112x128xf32, #tpu.memory_space<vmem_shared>> -> memref<64x128xf32, #tpu.memory_space<vmem_shared>>
      %dma_start3A_121 = arith.constant 0 : i32
      %dma_start3A_122 = tpu.memref_slice %arg7[%add3A_17, %dma_start3A_121] : memref<10112x128xf32, #tpu.memory_space<vmem_shared>> -> memref<64x128xf32, #tpu.memory_space<vmem_shared>>
      %dma_start3A_123 = arith.constant 0 : i32
      %dma_start3A_124 = arith.constant 0 : i32
      %dma_start3A_125 = tpu.memref_slice %arg10[%run_scoped3A_18, %dma_start3A_123, %dma_start3A_124] : memref<2x64x128xf32, #tpu.memory_space<vmem>> -> memref<1x64x128xf32, #tpu.memory_space<vmem>>
      %dma_start3A_126 = tpu.memref_squeeze %dma_start3A_125 : memref<1x64x128xf32, #tpu.memory_space<vmem>> -> memref<64x128xf32, #tpu.memory_space<vmem>>
      tpu.enqueue_dma source(%dma_start3A_126 : memref<64x128xf32, #tpu.memory_space<vmem>>) target(%dma_start3A_122 : memref<64x128xf32, #tpu.memory_space<vmem_shared>>) target_semaphore(%run_scoped3A_114 : memref<!tpu.dma_semaphore, #tpu.memory_space<semaphore_mem>>)
      %dma_wait3A_127 = arith.constant 0 : i32
      %dma_wait3A_128 = arith.constant 0 : i32
      %dma_wait3A_129 = tpu.memref_slice %arg10[%run_scoped3A_18, %dma_wait3A_127, %dma_wait3A_128] : memref<2x64x128xf32, #tpu.memory_space<vmem>> -> memref<1x64x128xf32, #tpu.memory_space<vmem>>
      %dma_wait3A_130 = tpu.memref_squeeze %dma_wait3A_129 : memref<1x64x128xf32, #tpu.memory_space<vmem>> -> memref<64x128xf32, #tpu.memory_space<vmem>>
      %dma_wait3A_131 = arith.constant 0 : i32
      %dma_wait3A_132 = tpu.memref_slice %arg7[%add3A_17, %dma_wait3A_131] : memref<10112x128xf32, #tpu.memory_space<vmem_shared>> -> memref<64x128xf32, #tpu.memory_space<vmem_shared>>
      %dma_wait3A_133 = arith.constant 0 : i32
      %dma_wait3A_134 = tpu.memref_slice %arg7[%add3A_17, %dma_wait3A_133] : memref<10112x128xf32, #tpu.memory_space<vmem_shared>> -> memref<64x128xf32, #tpu.memory_space<vmem_shared>>
      %dma_wait3A_135 = arith.constant 0 : i32
      %dma_wait3A_136 = arith.constant 0 : i32
      %dma_wait3A_137 = tpu.memref_slice %arg10[%run_scoped3A_18, %dma_wait3A_135, %dma_wait3A_136] : memref<2x64x128xf32, #tpu.memory_space<vmem>> -> memref<1x64x128xf32, #tpu.memory_space<vmem>>
      %dma_wait3A_138 = tpu.memref_squeeze %dma_wait3A_137 : memref<1x64x128xf32, #tpu.memory_space<vmem>> -> memref<64x128xf32, #tpu.memory_space<vmem>>
      tpu.wait_dma2 semaphore(%run_scoped3A_114 : memref<!tpu.dma_semaphore, #tpu.memory_space<semaphore_mem>>) src(%dma_wait3A_138 : memref<64x128xf32, #tpu.memory_space<vmem>>) dst(%dma_wait3A_134 : memref<64x128xf32, #tpu.memory_space<vmem_shared>>)
      tpu.yield
    }) : () -> ()
    %add3A_19 = arith.constant 256 : i32
    %add3A_20 = arith.addi %mul3A_7, %add3A_19 : i32
    %run_scoped3A_21 = arith.constant 0 : i32
    "tpu.region"() ({
      %run_scoped3A_114 = tpu.sem_alloc : memref<!tpu.dma_semaphore, #tpu.memory_space<semaphore_mem>>
      %dma_start3A_115 = arith.constant 0 : i32
      %dma_start3A_116 = arith.constant 0 : i32
      %dma_start3A_117 = tpu.memref_slice %arg10[%run_scoped3A_21, %dma_start3A_115, %dma_start3A_116] : memref<2x64x128xf32, #tpu.memory_space<vmem>> -> memref<1x64x128xf32, #tpu.memory_space<vmem>>
      %dma_start3A_118 = tpu.memref_squeeze %dma_start3A_117 : memref<1x64x128xf32, #tpu.memory_space<vmem>> -> memref<64x128xf32, #tpu.memory_space<vmem>>
      %dma_start3A_119 = arith.constant 0 : i32
      %dma_start3A_120 = tpu.memref_slice %arg7[%add3A_20, %dma_start3A_119] : memref<10112x128xf32, #tpu.memory_space<vmem_shared>> -> memref<64x128xf32, #tpu.memory_space<vmem_shared>>
      %dma_start3A_121 = arith.constant 0 : i32
      %dma_start3A_122 = tpu.memref_slice %arg7[%add3A_20, %dma_start3A_121] : memref<10112x128xf32, #tpu.memory_space<vmem_shared>> -> memref<64x128xf32, #tpu.memory_space<vmem_shared>>
      %dma_start3A_123 = arith.constant 0 : i32
      %dma_start3A_124 = arith.constant 0 : i32
      %dma_start3A_125 = tpu.memref_slice %arg10[%run_scoped3A_21, %dma_start3A_123, %dma_start3A_124] : memref<2x64x128xf32, #tpu.memory_space<vmem>> -> memref<1x64x128xf32, #tpu.memory_space<vmem>>
      %dma_start3A_126 = tpu.memref_squeeze %dma_start3A_125 : memref<1x64x128xf32, #tpu.memory_space<vmem>> -> memref<64x128xf32, #tpu.memory_space<vmem>>
      tpu.enqueue_dma source(%dma_start3A_126 : memref<64x128xf32, #tpu.memory_space<vmem>>) target(%dma_start3A_122 : memref<64x128xf32, #tpu.memory_space<vmem_shared>>) target_semaphore(%run_scoped3A_114 : memref<!tpu.dma_semaphore, #tpu.memory_space<semaphore_mem>>)
      %dma_wait3A_127 = arith.constant 0 : i32
      %dma_wait3A_128 = arith.constant 0 : i32
      %dma_wait3A_129 = tpu.memref_slice %arg10[%run_scoped3A_21, %dma_wait3A_127, %dma_wait3A_128] : memref<2x64x128xf32, #tpu.memory_space<vmem>> -> memref<1x64x128xf32, #tpu.memory_space<vmem>>
      %dma_wait3A_130 = tpu.memref_squeeze %dma_wait3A_129 : memref<1x64x128xf32, #tpu.memory_space<vmem>> -> memref<64x128xf32, #tpu.memory_space<vmem>>
      %dma_wait3A_131 = arith.constant 0 : i32
      %dma_wait3A_132 = tpu.memref_slice %arg7[%add3A_20, %dma_wait3A_131] : memref<10112x128xf32, #tpu.memory_space<vmem_shared>> -> memref<64x128xf32, #tpu.memory_space<vmem_shared>>
      %dma_wait3A_133 = arith.constant 0 : i32
      %dma_wait3A_134 = tpu.memref_slice %arg7[%add3A_20, %dma_wait3A_133] : memref<10112x128xf32, #tpu.memory_space<vmem_shared>> -> memref<64x128xf32, #tpu.memory_space<vmem_shared>>
      %dma_wait3A_135 = arith.constant 0 : i32
      %dma_wait3A_136 = arith.constant 0 : i32
      %dma_wait3A_137 = tpu.memref_slice %arg10[%run_scoped3A_21, %dma_wait3A_135, %dma_wait3A_136] : memref<2x64x128xf32, #tpu.memory_space<vmem>> -> memref<1x64x128xf32, #tpu.memory_space<vmem>>
      %dma_wait3A_138 = tpu.memref_squeeze %dma_wait3A_137 : memref<1x64x128xf32, #tpu.memory_space<vmem>> -> memref<64x128xf32, #tpu.memory_space<vmem>>
      tpu.wait_dma2 semaphore(%run_scoped3A_114 : memref<!tpu.dma_semaphore, #tpu.memory_space<semaphore_mem>>) src(%dma_wait3A_138 : memref<64x128xf32, #tpu.memory_space<vmem>>) dst(%dma_wait3A_134 : memref<64x128xf32, #tpu.memory_space<vmem_shared>>)
      tpu.yield
    }) : () -> ()
    %add3A_22 = arith.constant 320 : i32
    %add3A_23 = arith.addi %mul3A_7, %add3A_22 : i32
    %run_scoped3A_24 = arith.constant 0 : i32
    "tpu.region"() ({
      %run_scoped3A_114 = tpu.sem_alloc : memref<!tpu.dma_semaphore, #tpu.memory_space<semaphore_mem>>
      %dma_start3A_115 = arith.constant 0 : i32
      %dma_start3A_116 = arith.constant 0 : i32
      %dma_start3A_117 = tpu.memref_slice %arg10[%run_scoped3A_24, %dma_start3A_115, %dma_start3A_116] : memref<2x64x128xf32, #tpu.memory_space<vmem>> -> memref<1x64x128xf32, #tpu.memory_space<vmem>>
      %dma_start3A_118 = tpu.memref_squeeze %dma_start3A_117 : memref<1x64x128xf32, #tpu.memory_space<vmem>> -> memref<64x128xf32, #tpu.memory_space<vmem>>
      %dma_start3A_119 = arith.constant 0 : i32
      %dma_start3A_120 = tpu.memref_slice %arg7[%add3A_23, %dma_start3A_119] : memref<10112x128xf32, #tpu.memory_space<vmem_shared>> -> memref<64x128xf32, #tpu.memory_space<vmem_shared>>
      %dma_start3A_121 = arith.constant 0 : i32
      %dma_start3A_122 = tpu.memref_slice %arg7[%add3A_23, %dma_start3A_121] : memref<10112x128xf32, #tpu.memory_space<vmem_shared>> -> memref<64x128xf32, #tpu.memory_space<vmem_shared>>
      %dma_start3A_123 = arith.constant 0 : i32
      %dma_start3A_124 = arith.constant 0 : i32
      %dma_start3A_125 = tpu.memref_slice %arg10[%run_scoped3A_24, %dma_start3A_123, %dma_start3A_124] : memref<2x64x128xf32, #tpu.memory_space<vmem>> -> memref<1x64x128xf32, #tpu.memory_space<vmem>>
      %dma_start3A_126 = tpu.memref_squeeze %dma_start3A_125 : memref<1x64x128xf32, #tpu.memory_space<vmem>> -> memref<64x128xf32, #tpu.memory_space<vmem>>
      tpu.enqueue_dma source(%dma_start3A_126 : memref<64x128xf32, #tpu.memory_space<vmem>>) target(%dma_start3A_122 : memref<64x128xf32, #tpu.memory_space<vmem_shared>>) target_semaphore(%run_scoped3A_114 : memref<!tpu.dma_semaphore, #tpu.memory_space<semaphore_mem>>)
      %dma_wait3A_127 = arith.constant 0 : i32
      %dma_wait3A_128 = arith.constant 0 : i32
      %dma_wait3A_129 = tpu.memref_slice %arg10[%run_scoped3A_24, %dma_wait3A_127, %dma_wait3A_128] : memref<2x64x128xf32, #tpu.memory_space<vmem>> -> memref<1x64x128xf32, #tpu.memory_space<vmem>>
      %dma_wait3A_130 = tpu.memref_squeeze %dma_wait3A_129 : memref<1x64x128xf32, #tpu.memory_space<vmem>> -> memref<64x128xf32, #tpu.memory_space<vmem>>
      %dma_wait3A_131 = arith.constant 0 : i32
      %dma_wait3A_132 = tpu.memref_slice %arg7[%add3A_23, %dma_wait3A_131] : memref<10112x128xf32, #tpu.memory_space<vmem_shared>> -> memref<64x128xf32, #tpu.memory_space<vmem_shared>>
      %dma_wait3A_133 = arith.constant 0 : i32
      %dma_wait3A_134 = tpu.memref_slice %arg7[%add3A_23, %dma_wait3A_133] : memref<10112x128xf32, #tpu.memory_space<vmem_shared>> -> memref<64x128xf32, #tpu.memory_space<vmem_shared>>
      %dma_wait3A_135 = arith.constant 0 : i32
      %dma_wait3A_136 = arith.constant 0 : i32
      %dma_wait3A_137 = tpu.memref_slice %arg10[%run_scoped3A_24, %dma_wait3A_135, %dma_wait3A_136] : memref<2x64x128xf32, #tpu.memory_space<vmem>> -> memref<1x64x128xf32, #tpu.memory_space<vmem>>
      %dma_wait3A_138 = tpu.memref_squeeze %dma_wait3A_137 : memref<1x64x128xf32, #tpu.memory_space<vmem>> -> memref<64x128xf32, #tpu.memory_space<vmem>>
      tpu.wait_dma2 semaphore(%run_scoped3A_114 : memref<!tpu.dma_semaphore, #tpu.memory_space<semaphore_mem>>) src(%dma_wait3A_138 : memref<64x128xf32, #tpu.memory_space<vmem>>) dst(%dma_wait3A_134 : memref<64x128xf32, #tpu.memory_space<vmem_shared>>)
      tpu.yield
    }) : () -> ()
    %add3A_25 = arith.constant 384 : i32
    %add3A_26 = arith.addi %mul3A_7, %add3A_25 : i32
    %run_scoped3A_27 = arith.constant 0 : i32
    "tpu.region"() ({
      %run_scoped3A_114 = tpu.sem_alloc : memref<!tpu.dma_semaphore, #tpu.memory_space<semaphore_mem>>
      %dma_start3A_115 = arith.constant 0 : i32
      %dma_start3A_116 = arith.constant 0 : i32
      %dma_start3A_117 = tpu.memref_slice %arg10[%run_scoped3A_27, %dma_start3A_115, %dma_start3A_116] : memref<2x64x128xf32, #tpu.memory_space<vmem>> -> memref<1x64x128xf32, #tpu.memory_space<vmem>>
      %dma_start3A_118 = tpu.memref_squeeze %dma_start3A_117 : memref<1x64x128xf32, #tpu.memory_space<vmem>> -> memref<64x128xf32, #tpu.memory_space<vmem>>
      %dma_start3A_119 = arith.constant 0 : i32
      %dma_start3A_120 = tpu.memref_slice %arg7[%add3A_26, %dma_start3A_119] : memref<10112x128xf32, #tpu.memory_space<vmem_shared>> -> memref<64x128xf32, #tpu.memory_space<vmem_shared>>
      %dma_start3A_121 = arith.constant 0 : i32
      %dma_start3A_122 = tpu.memref_slice %arg7[%add3A_26, %dma_start3A_121] : memref<10112x128xf32, #tpu.memory_space<vmem_shared>> -> memref<64x128xf32, #tpu.memory_space<vmem_shared>>
      %dma_start3A_123 = arith.constant 0 : i32
      %dma_start3A_124 = arith.constant 0 : i32
      %dma_start3A_125 = tpu.memref_slice %arg10[%run_scoped3A_27, %dma_start3A_123, %dma_start3A_124] : memref<2x64x128xf32, #tpu.memory_space<vmem>> -> memref<1x64x128xf32, #tpu.memory_space<vmem>>
      %dma_start3A_126 = tpu.memref_squeeze %dma_start3A_125 : memref<1x64x128xf32, #tpu.memory_space<vmem>> -> memref<64x128xf32, #tpu.memory_space<vmem>>
      tpu.enqueue_dma source(%dma_start3A_126 : memref<64x128xf32, #tpu.memory_space<vmem>>) target(%dma_start3A_122 : memref<64x128xf32, #tpu.memory_space<vmem_shared>>) target_semaphore(%run_scoped3A_114 : memref<!tpu.dma_semaphore, #tpu.memory_space<semaphore_mem>>)
      %dma_wait3A_127 = arith.constant 0 : i32
      %dma_wait3A_128 = arith.constant 0 : i32
      %dma_wait3A_129 = tpu.memref_slice %arg10[%run_scoped3A_27, %dma_wait3A_127, %dma_wait3A_128] : memref<2x64x128xf32, #tpu.memory_space<vmem>> -> memref<1x64x128xf32, #tpu.memory_space<vmem>>
      %dma_wait3A_130 = tpu.memref_squeeze %dma_wait3A_129 : memref<1x64x128xf32, #tpu.memory_space<vmem>> -> memref<64x128xf32, #tpu.memory_space<vmem>>
      %dma_wait3A_131 = arith.constant 0 : i32
      %dma_wait3A_132 = tpu.memref_slice %arg7[%add3A_26, %dma_wait3A_131] : memref<10112x128xf32, #tpu.memory_space<vmem_shared>> -> memref<64x128xf32, #tpu.memory_space<vmem_shared>>
      %dma_wait3A_133 = arith.constant 0 : i32
      %dma_wait3A_134 = tpu.memref_slice %arg7[%add3A_26, %dma_wait3A_133] : memref<10112x128xf32, #tpu.memory_space<vmem_shared>> -> memref<64x128xf32, #tpu.memory_space<vmem_shared>>
      %dma_wait3A_135 = arith.constant 0 : i32
      %dma_wait3A_136 = arith.constant 0 : i32
      %dma_wait3A_137 = tpu.memref_slice %arg10[%run_scoped3A_27, %dma_wait3A_135, %dma_wait3A_136] : memref<2x64x128xf32, #tpu.memory_space<vmem>> -> memref<1x64x128xf32, #tpu.memory_space<vmem>>
      %dma_wait3A_138 = tpu.memref_squeeze %dma_wait3A_137 : memref<1x64x128xf32, #tpu.memory_space<vmem>> -> memref<64x128xf32, #tpu.memory_space<vmem>>
      tpu.wait_dma2 semaphore(%run_scoped3A_114 : memref<!tpu.dma_semaphore, #tpu.memory_space<semaphore_mem>>) src(%dma_wait3A_138 : memref<64x128xf32, #tpu.memory_space<vmem>>) dst(%dma_wait3A_134 : memref<64x128xf32, #tpu.memory_space<vmem_shared>>)
      tpu.yield
    }) : () -> ()
    %add3A_28 = arith.constant 448 : i32
    %add3A_29 = arith.addi %mul3A_7, %add3A_28 : i32
    %run_scoped3A_30 = arith.constant 0 : i32
    "tpu.region"() ({
      %run_scoped3A_114 = tpu.sem_alloc : memref<!tpu.dma_semaphore, #tpu.memory_space<semaphore_mem>>
      %dma_start3A_115 = arith.constant 0 : i32
      %dma_start3A_116 = arith.constant 0 : i32
      %dma_start3A_117 = tpu.memref_slice %arg10[%run_scoped3A_30, %dma_start3A_115, %dma_start3A_116] : memref<2x64x128xf32, #tpu.memory_space<vmem>> -> memref<1x64x128xf32, #tpu.memory_space<vmem>>
      %dma_start3A_118 = tpu.memref_squeeze %dma_start3A_117 : memref<1x64x128xf32, #tpu.memory_space<vmem>> -> memref<64x128xf32, #tpu.memory_space<vmem>>
      %dma_start3A_119 = arith.constant 0 : i32
      %dma_start3A_120 = tpu.memref_slice %arg7[%add3A_29, %dma_start3A_119] : memref<10112x128xf32, #tpu.memory_space<vmem_shared>> -> memref<64x128xf32, #tpu.memory_space<vmem_shared>>
      %dma_start3A_121 = arith.constant 0 : i32
      %dma_start3A_122 = tpu.memref_slice %arg7[%add3A_29, %dma_start3A_121] : memref<10112x128xf32, #tpu.memory_space<vmem_shared>> -> memref<64x128xf32, #tpu.memory_space<vmem_shared>>
      %dma_start3A_123 = arith.constant 0 : i32
      %dma_start3A_124 = arith.constant 0 : i32
      %dma_start3A_125 = tpu.memref_slice %arg10[%run_scoped3A_30, %dma_start3A_123, %dma_start3A_124] : memref<2x64x128xf32, #tpu.memory_space<vmem>> -> memref<1x64x128xf32, #tpu.memory_space<vmem>>
      %dma_start3A_126 = tpu.memref_squeeze %dma_start3A_125 : memref<1x64x128xf32, #tpu.memory_space<vmem>> -> memref<64x128xf32, #tpu.memory_space<vmem>>
      tpu.enqueue_dma source(%dma_start3A_126 : memref<64x128xf32, #tpu.memory_space<vmem>>) target(%dma_start3A_122 : memref<64x128xf32, #tpu.memory_space<vmem_shared>>) target_semaphore(%run_scoped3A_114 : memref<!tpu.dma_semaphore, #tpu.memory_space<semaphore_mem>>)
      %dma_wait3A_127 = arith.constant 0 : i32
      %dma_wait3A_128 = arith.constant 0 : i32
      %dma_wait3A_129 = tpu.memref_slice %arg10[%run_scoped3A_30, %dma_wait3A_127, %dma_wait3A_128] : memref<2x64x128xf32, #tpu.memory_space<vmem>> -> memref<1x64x128xf32, #tpu.memory_space<vmem>>
      %dma_wait3A_130 = tpu.memref_squeeze %dma_wait3A_129 : memref<1x64x128xf32, #tpu.memory_space<vmem>> -> memref<64x128xf32, #tpu.memory_space<vmem>>
      %dma_wait3A_131 = arith.constant 0 : i32
      %dma_wait3A_132 = tpu.memref_slice %arg7[%add3A_29, %dma_wait3A_131] : memref<10112x128xf32, #tpu.memory_space<vmem_shared>> -> memref<64x128xf32, #tpu.memory_space<vmem_shared>>
      %dma_wait3A_133 = arith.constant 0 : i32
      %dma_wait3A_134 = tpu.memref_slice %arg7[%add3A_29, %dma_wait3A_133] : memref<10112x128xf32, #tpu.memory_space<vmem_shared>> -> memref<64x128xf32, #tpu.memory_space<vmem_shared>>
      %dma_wait3A_135 = arith.constant 0 : i32
      %dma_wait3A_136 = arith.constant 0 : i32
      %dma_wait3A_137 = tpu.memref_slice %arg10[%run_scoped3A_30, %dma_wait3A_135, %dma_wait3A_136] : memref<2x64x128xf32, #tpu.memory_space<vmem>> -> memref<1x64x128xf32, #tpu.memory_space<vmem>>
      %dma_wait3A_138 = tpu.memref_squeeze %dma_wait3A_137 : memref<1x64x128xf32, #tpu.memory_space<vmem>> -> memref<64x128xf32, #tpu.memory_space<vmem>>
      tpu.wait_dma2 semaphore(%run_scoped3A_114 : memref<!tpu.dma_semaphore, #tpu.memory_space<semaphore_mem>>) src(%dma_wait3A_138 : memref<64x128xf32, #tpu.memory_space<vmem>>) dst(%dma_wait3A_134 : memref<64x128xf32, #tpu.memory_space<vmem_shared>>)
      tpu.yield
    }) : () -> ()
    %add3A_31 = arith.constant 512 : i32
    %add3A_32 = arith.addi %mul3A_7, %add3A_31 : i32
    %run_scoped3A_33 = arith.constant 0 : i32
    "tpu.region"() ({
      %run_scoped3A_114 = tpu.sem_alloc : memref<!tpu.dma_semaphore, #tpu.memory_space<semaphore_mem>>
      %dma_start3A_115 = arith.constant 0 : i32
      %dma_start3A_116 = arith.constant 0 : i32
      %dma_start3A_117 = tpu.memref_slice %arg10[%run_scoped3A_33, %dma_start3A_115, %dma_start3A_116] : memref<2x64x128xf32, #tpu.memory_space<vmem>> -> memref<1x64x128xf32, #tpu.memory_space<vmem>>
      %dma_start3A_118 = tpu.memref_squeeze %dma_start3A_117 : memref<1x64x128xf32, #tpu.memory_space<vmem>> -> memref<64x128xf32, #tpu.memory_space<vmem>>
      %dma_start3A_119 = arith.constant 0 : i32
      %dma_start3A_120 = tpu.memref_slice %arg7[%add3A_32, %dma_start3A_119] : memref<10112x128xf32, #tpu.memory_space<vmem_shared>> -> memref<64x128xf32, #tpu.memory_space<vmem_shared>>
      %dma_start3A_121 = arith.constant 0 : i32
      %dma_start3A_122 = tpu.memref_slice %arg7[%add3A_32, %dma_start3A_121] : memref<10112x128xf32, #tpu.memory_space<vmem_shared>> -> memref<64x128xf32, #tpu.memory_space<vmem_shared>>
      %dma_start3A_123 = arith.constant 0 : i32
      %dma_start3A_124 = arith.constant 0 : i32
      %dma_start3A_125 = tpu.memref_slice %arg10[%run_scoped3A_33, %dma_start3A_123, %dma_start3A_124] : memref<2x64x128xf32, #tpu.memory_space<vmem>> -> memref<1x64x128xf32, #tpu.memory_space<vmem>>
      %dma_start3A_126 = tpu.memref_squeeze %dma_start3A_125 : memref<1x64x128xf32, #tpu.memory_space<vmem>> -> memref<64x128xf32, #tpu.memory_space<vmem>>
      tpu.enqueue_dma source(%dma_start3A_126 : memref<64x128xf32, #tpu.memory_space<vmem>>) target(%dma_start3A_122 : memref<64x128xf32, #tpu.memory_space<vmem_shared>>) target_semaphore(%run_scoped3A_114 : memref<!tpu.dma_semaphore, #tpu.memory_space<semaphore_mem>>)
      %dma_wait3A_127 = arith.constant 0 : i32
      %dma_wait3A_128 = arith.constant 0 : i32
      %dma_wait3A_129 = tpu.memref_slice %arg10[%run_scoped3A_33, %dma_wait3A_127, %dma_wait3A_128] : memref<2x64x128xf32, #tpu.memory_space<vmem>> -> memref<1x64x128xf32, #tpu.memory_space<vmem>>
      %dma_wait3A_130 = tpu.memref_squeeze %dma_wait3A_129 : memref<1x64x128xf32, #tpu.memory_space<vmem>> -> memref<64x128xf32, #tpu.memory_space<vmem>>
      %dma_wait3A_131 = arith.constant 0 : i32
      %dma_wait3A_132 = tpu.memref_slice %arg7[%add3A_32, %dma_wait3A_131] : memref<10112x128xf32, #tpu.memory_space<vmem_shared>> -> memref<64x128xf32, #tpu.memory_space<vmem_shared>>
      %dma_wait3A_133 = arith.constant 0 : i32
      %dma_wait3A_134 = tpu.memref_slice %arg7[%add3A_32, %dma_wait3A_133] : memref<10112x128xf32, #tpu.memory_space<vmem_shared>> -> memref<64x128xf32, #tpu.memory_space<vmem_shared>>
      %dma_wait3A_135 = arith.constant 0 : i32
      %dma_wait3A_136 = arith.constant 0 : i32
      %dma_wait3A_137 = tpu.memref_slice %arg10[%run_scoped3A_33, %dma_wait3A_135, %dma_wait3A_136] : memref<2x64x128xf32, #tpu.memory_space<vmem>> -> memref<1x64x128xf32, #tpu.memory_space<vmem>>
      %dma_wait3A_138 = tpu.memref_squeeze %dma_wait3A_137 : memref<1x64x128xf32, #tpu.memory_space<vmem>> -> memref<64x128xf32, #tpu.memory_space<vmem>>
      tpu.wait_dma2 semaphore(%run_scoped3A_114 : memref<!tpu.dma_semaphore, #tpu.memory_space<semaphore_mem>>) src(%dma_wait3A_138 : memref<64x128xf32, #tpu.memory_space<vmem>>) dst(%dma_wait3A_134 : memref<64x128xf32, #tpu.memory_space<vmem_shared>>)
      tpu.yield
    }) : () -> ()
    %add3A_34 = arith.constant 576 : i32
    %add3A_35 = arith.addi %mul3A_7, %add3A_34 : i32
    %run_scoped3A_36 = arith.constant 0 : i32
    "tpu.region"() ({
      %run_scoped3A_114 = tpu.sem_alloc : memref<!tpu.dma_semaphore, #tpu.memory_space<semaphore_mem>>
      %dma_start3A_115 = arith.constant 0 : i32
      %dma_start3A_116 = arith.constant 0 : i32
      %dma_start3A_117 = tpu.memref_slice %arg10[%run_scoped3A_36, %dma_start3A_115, %dma_start3A_116] : memref<2x64x128xf32, #tpu.memory_space<vmem>> -> memref<1x56x128xf32, #tpu.memory_space<vmem>>
      %dma_start3A_118 = tpu.memref_squeeze %dma_start3A_117 : memref<1x56x128xf32, #tpu.memory_space<vmem>> -> memref<56x128xf32, #tpu.memory_space<vmem>>
      %dma_start3A_119 = arith.constant 0 : i32
      %dma_start3A_120 = tpu.memref_slice %arg7[%add3A_35, %dma_start3A_119] : memref<10112x128xf32, #tpu.memory_space<vmem_shared>> -> memref<56x128xf32, #tpu.memory_space<vmem_shared>>
      %dma_start3A_121 = arith.constant 0 : i32
      %dma_start3A_122 = tpu.memref_slice %arg7[%add3A_35, %dma_start3A_121] : memref<10112x128xf32, #tpu.memory_space<vmem_shared>> -> memref<56x128xf32, #tpu.memory_space<vmem_shared>>
      %dma_start3A_123 = arith.constant 0 : i32
      %dma_start3A_124 = arith.constant 0 : i32
      %dma_start3A_125 = tpu.memref_slice %arg10[%run_scoped3A_36, %dma_start3A_123, %dma_start3A_124] : memref<2x64x128xf32, #tpu.memory_space<vmem>> -> memref<1x56x128xf32, #tpu.memory_space<vmem>>
      %dma_start3A_126 = tpu.memref_squeeze %dma_start3A_125 : memref<1x56x128xf32, #tpu.memory_space<vmem>> -> memref<56x128xf32, #tpu.memory_space<vmem>>
      tpu.enqueue_dma source(%dma_start3A_126 : memref<56x128xf32, #tpu.memory_space<vmem>>) target(%dma_start3A_122 : memref<56x128xf32, #tpu.memory_space<vmem_shared>>) target_semaphore(%run_scoped3A_114 : memref<!tpu.dma_semaphore, #tpu.memory_space<semaphore_mem>>)
      %dma_wait3A_127 = arith.constant 0 : i32
      %dma_wait3A_128 = arith.constant 0 : i32
      %dma_wait3A_129 = tpu.memref_slice %arg10[%run_scoped3A_36, %dma_wait3A_127, %dma_wait3A_128] : memref<2x64x128xf32, #tpu.memory_space<vmem>> -> memref<1x56x128xf32, #tpu.memory_space<vmem>>
      %dma_wait3A_130 = tpu.memref_squeeze %dma_wait3A_129 : memref<1x56x128xf32, #tpu.memory_space<vmem>> -> memref<56x128xf32, #tpu.memory_space<vmem>>
      %dma_wait3A_131 = arith.constant 0 : i32
      %dma_wait3A_132 = tpu.memref_slice %arg7[%add3A_35, %dma_wait3A_131] : memref<10112x128xf32, #tpu.memory_space<vmem_shared>> -> memref<56x128xf32, #tpu.memory_space<vmem_shared>>
      %dma_wait3A_133 = arith.constant 0 : i32
      %dma_wait3A_134 = tpu.memref_slice %arg7[%add3A_35, %dma_wait3A_133] : memref<10112x128xf32, #tpu.memory_space<vmem_shared>> -> memref<56x128xf32, #tpu.memory_space<vmem_shared>>
      %dma_wait3A_135 = arith.constant 0 : i32
      %dma_wait3A_136 = arith.constant 0 : i32
      %dma_wait3A_137 = tpu.memref_slice %arg10[%run_scoped3A_36, %dma_wait3A_135, %dma_wait3A_136] : memref<2x64x128xf32, #tpu.memory_space<vmem>> -> memref<1x56x128xf32, #tpu.memory_space<vmem>>
      %dma_wait3A_138 = tpu.memref_squeeze %dma_wait3A_137 : memref<1x56x128xf32, #tpu.memory_space<vmem>> -> memref<56x128xf32, #tpu.memory_space<vmem>>
      tpu.wait_dma2 semaphore(%run_scoped3A_114 : memref<!tpu.dma_semaphore, #tpu.memory_space<semaphore_mem>>) src(%dma_wait3A_138 : memref<56x128xf32, #tpu.memory_space<vmem>>) dst(%dma_wait3A_134 : memref<56x128xf32, #tpu.memory_space<vmem_shared>>)
      tpu.yield
    }) : () -> ()
    %barrier3A = arith.constant 0 : index
    tpu.barrier barrier_id(%barrier3A)
    %multiple_of3A = arith.constant 0 : i32
    %multiple_of3A_37 = tpu.assume_multiple %multiple_of3A, 8 : i32
    %run_scoped3A_38 = arith.constant 0 : i32
    "tpu.region"() ({
      %run_scoped3A_114 = tpu.sem_alloc : memref<!tpu.dma_semaphore, #tpu.memory_space<semaphore_mem>>
      %dma_start3A_115 = arith.constant 0 : i32
      %dma_start3A_116 = arith.constant 0 : i32
      %dma_start3A_117 = tpu.memref_slice %arg11[%run_scoped3A_38, %dma_start3A_115, %dma_start3A_116] : memref<2x8x64xi32, #tpu.memory_space<vmem>> -> memref<1x8x64xi32, #tpu.memory_space<vmem>>
      %dma_start3A_118 = tpu.memref_squeeze %dma_start3A_117 : memref<1x8x64xi32, #tpu.memory_space<vmem>> -> memref<8x64xi32, #tpu.memory_space<vmem>>
      %dma_start3A_119 = arith.constant 0 : i32
      %dma_start3A_120 = tpu.memref_slice %arg4[%add3A, %multiple_of3A_37, %dma_start3A_119] : memref<32x160x64xi32, #tpu.memory_space<hbm>> -> memref<1x8x64xi32, #tpu.memory_space<hbm>>
      %dma_start3A_121 = tpu.memref_squeeze %dma_start3A_120 : memref<1x8x64xi32, #tpu.memory_space<hbm>> -> memref<8x64xi32, #tpu.memory_space<hbm>>
      %dma_start3A_122 = arith.constant 0 : i32
      %dma_start3A_123 = arith.constant 0 : i32
      %dma_start3A_124 = tpu.memref_slice %arg11[%run_scoped3A_38, %dma_start3A_122, %dma_start3A_123] : memref<2x8x64xi32, #tpu.memory_space<vmem>> -> memref<1x8x64xi32, #tpu.memory_space<vmem>>
      %dma_start3A_125 = tpu.memref_squeeze %dma_start3A_124 : memref<1x8x64xi32, #tpu.memory_space<vmem>> -> memref<8x64xi32, #tpu.memory_space<vmem>>
      %dma_start3A_126 = arith.constant 0 : i32
      %dma_start3A_127 = tpu.memref_slice %arg4[%add3A, %multiple_of3A_37, %dma_start3A_126] : memref<32x160x64xi32, #tpu.memory_space<hbm>> -> memref<1x8x64xi32, #tpu.memory_space<hbm>>
      %dma_start3A_128 = tpu.memref_squeeze %dma_start3A_127 : memref<1x8x64xi32, #tpu.memory_space<hbm>> -> memref<8x64xi32, #tpu.memory_space<hbm>>
      tpu.enqueue_dma source(%dma_start3A_128 : memref<8x64xi32, #tpu.memory_space<hbm>>) target(%dma_start3A_125 : memref<8x64xi32, #tpu.memory_space<vmem>>) target_semaphore(%run_scoped3A_114 : memref<!tpu.dma_semaphore, #tpu.memory_space<semaphore_mem>>)
      %dma_wait3A_129 = arith.constant 0 : i32
      %dma_wait3A_130 = arith.constant 0 : i32
      %dma_wait3A_131 = tpu.memref_slice %arg11[%run_scoped3A_38, %dma_wait3A_129, %dma_wait3A_130] : memref<2x8x64xi32, #tpu.memory_space<vmem>> -> memref<1x8x64xi32, #tpu.memory_space<vmem>>
      %dma_wait3A_132 = tpu.memref_squeeze %dma_wait3A_131 : memref<1x8x64xi32, #tpu.memory_space<vmem>> -> memref<8x64xi32, #tpu.memory_space<vmem>>
      %dma_wait3A_133 = arith.constant 0 : i32
      %dma_wait3A_134 = tpu.memref_slice %arg4[%add3A, %multiple_of3A_37, %dma_wait3A_133] : memref<32x160x64xi32, #tpu.memory_space<hbm>> -> memref<1x8x64xi32, #tpu.memory_space<hbm>>
      %dma_wait3A_135 = tpu.memref_squeeze %dma_wait3A_134 : memref<1x8x64xi32, #tpu.memory_space<hbm>> -> memref<8x64xi32, #tpu.memory_space<hbm>>
      %dma_wait3A_136 = arith.constant 0 : i32
      %dma_wait3A_137 = arith.constant 0 : i32
      %dma_wait3A_138 = tpu.memref_slice %arg11[%run_scoped3A_38, %dma_wait3A_136, %dma_wait3A_137] : memref<2x8x64xi32, #tpu.memory_space<vmem>> -> memref<1x8x64xi32, #tpu.memory_space<vmem>>
      %dma_wait3A_139 = tpu.memref_squeeze %dma_wait3A_138 : memref<1x8x64xi32, #tpu.memory_space<vmem>> -> memref<8x64xi32, #tpu.memory_space<vmem>>
      %dma_wait3A_140 = arith.constant 0 : i32
      %dma_wait3A_141 = tpu.memref_slice %arg4[%add3A, %multiple_of3A_37, %dma_wait3A_140] : memref<32x160x64xi32, #tpu.memory_space<hbm>> -> memref<1x8x64xi32, #tpu.memory_space<hbm>>
      %dma_wait3A_142 = tpu.memref_squeeze %dma_wait3A_141 : memref<1x8x64xi32, #tpu.memory_space<hbm>> -> memref<8x64xi32, #tpu.memory_space<hbm>>
      tpu.wait_dma2 semaphore(%run_scoped3A_114 : memref<!tpu.dma_semaphore, #tpu.memory_space<semaphore_mem>>) src(%dma_wait3A_142 : memref<8x64xi32, #tpu.memory_space<hbm>>) dst(%dma_wait3A_139 : memref<8x64xi32, #tpu.memory_space<vmem>>)
      tpu.yield
    }) : () -> ()
    %run_scoped3A_39 = arith.constant 0 : i32
    "tpu.region"() ({
      %run_scoped3A_114 = tpu.sem_alloc : memref<!tpu.dma_semaphore, #tpu.memory_space<semaphore_mem>>
      %dma_start3A_115 = arith.constant 0 : i32
      %dma_start3A_116 = arith.constant 0 : i32
      %dma_start3A_117 = tpu.memref_slice %arg12[%run_scoped3A_39, %dma_start3A_115, %dma_start3A_116] : memref<2x8x64xi32, #tpu.memory_space<vmem>> -> memref<1x8x64xi32, #tpu.memory_space<vmem>>
      %dma_start3A_118 = tpu.memref_squeeze %dma_start3A_117 : memref<1x8x64xi32, #tpu.memory_space<vmem>> -> memref<8x64xi32, #tpu.memory_space<vmem>>
      %dma_start3A_119 = arith.constant 0 : i32
      %dma_start3A_120 = tpu.memref_slice %arg5[%add3A, %multiple_of3A_37, %dma_start3A_119] : memref<32x160x64xi32, #tpu.memory_space<hbm>> -> memref<1x8x64xi32, #tpu.memory_space<hbm>>
      %dma_start3A_121 = tpu.memref_squeeze %dma_start3A_120 : memref<1x8x64xi32, #tpu.memory_space<hbm>> -> memref<8x64xi32, #tpu.memory_space<hbm>>
      %dma_start3A_122 = arith.constant 0 : i32
      %dma_start3A_123 = arith.constant 0 : i32
      %dma_start3A_124 = tpu.memref_slice %arg12[%run_scoped3A_39, %dma_start3A_122, %dma_start3A_123] : memref<2x8x64xi32, #tpu.memory_space<vmem>> -> memref<1x8x64xi32, #tpu.memory_space<vmem>>
      %dma_start3A_125 = tpu.memref_squeeze %dma_start3A_124 : memref<1x8x64xi32, #tpu.memory_space<vmem>> -> memref<8x64xi32, #tpu.memory_space<vmem>>
      %dma_start3A_126 = arith.constant 0 : i32
      %dma_start3A_127 = tpu.memref_slice %arg5[%add3A, %multiple_of3A_37, %dma_start3A_126] : memref<32x160x64xi32, #tpu.memory_space<hbm>> -> memref<1x8x64xi32, #tpu.memory_space<hbm>>
      %dma_start3A_128 = tpu.memref_squeeze %dma_start3A_127 : memref<1x8x64xi32, #tpu.memory_space<hbm>> -> memref<8x64xi32, #tpu.memory_space<hbm>>
      tpu.enqueue_dma source(%dma_start3A_128 : memref<8x64xi32, #tpu.memory_space<hbm>>) target(%dma_start3A_125 : memref<8x64xi32, #tpu.memory_space<vmem>>) target_semaphore(%run_scoped3A_114 : memref<!tpu.dma_semaphore, #tpu.memory_space<semaphore_mem>>)
      %dma_wait3A_129 = arith.constant 0 : i32
      %dma_wait3A_130 = arith.constant 0 : i32
      %dma_wait3A_131 = tpu.memref_slice %arg12[%run_scoped3A_39, %dma_wait3A_129, %dma_wait3A_130] : memref<2x8x64xi32, #tpu.memory_space<vmem>> -> memref<1x8x64xi32, #tpu.memory_space<vmem>>
      %dma_wait3A_132 = tpu.memref_squeeze %dma_wait3A_131 : memref<1x8x64xi32, #tpu.memory_space<vmem>> -> memref<8x64xi32, #tpu.memory_space<vmem>>
      %dma_wait3A_133 = arith.constant 0 : i32
      %dma_wait3A_134 = tpu.memref_slice %arg5[%add3A, %multiple_of3A_37, %dma_wait3A_133] : memref<32x160x64xi32, #tpu.memory_space<hbm>> -> memref<1x8x64xi32, #tpu.memory_space<hbm>>
      %dma_wait3A_135 = tpu.memref_squeeze %dma_wait3A_134 : memref<1x8x64xi32, #tpu.memory_space<hbm>> -> memref<8x64xi32, #tpu.memory_space<hbm>>
      %dma_wait3A_136 = arith.constant 0 : i32
      %dma_wait3A_137 = arith.constant 0 : i32
      %dma_wait3A_138 = tpu.memref_slice %arg12[%run_scoped3A_39, %dma_wait3A_136, %dma_wait3A_137] : memref<2x8x64xi32, #tpu.memory_space<vmem>> -> memref<1x8x64xi32, #tpu.memory_space<vmem>>
      %dma_wait3A_139 = tpu.memref_squeeze %dma_wait3A_138 : memref<1x8x64xi32, #tpu.memory_space<vmem>> -> memref<8x64xi32, #tpu.memory_space<vmem>>
      %dma_wait3A_140 = arith.constant 0 : i32
      %dma_wait3A_141 = tpu.memref_slice %arg5[%add3A, %multiple_of3A_37, %dma_wait3A_140] : memref<32x160x64xi32, #tpu.memory_space<hbm>> -> memref<1x8x64xi32, #tpu.memory_space<hbm>>
      %dma_wait3A_142 = tpu.memref_squeeze %dma_wait3A_141 : memref<1x8x64xi32, #tpu.memory_space<hbm>> -> memref<8x64xi32, #tpu.memory_space<hbm>>
      tpu.wait_dma2 semaphore(%run_scoped3A_114 : memref<!tpu.dma_semaphore, #tpu.memory_space<semaphore_mem>>) src(%dma_wait3A_142 : memref<8x64xi32, #tpu.memory_space<hbm>>) dst(%dma_wait3A_139 : memref<8x64xi32, #tpu.memory_space<vmem>>)
      tpu.yield
    }) : () -> ()
    %mul3A_40 = arith.constant 10240 : i32
    %mul3A_41 = arith.muli %add3A, %mul3A_40 : i32
    %add3A_42 = arith.constant 0 : i32
    %add3A_43 = arith.addi %mul3A_41, %add3A_42 : i32
    %dma_start3A = arith.constant 0 : i32
    %dma_start3A_44 = arith.constant 0 : i32
    %dma_start3A_45 = arith.constant 0 : i32
    %dma_start3A_46 = arith.constant 0 : i32
    %dma_start3A_47 = tpu.memref_slice %arg8[%dma_start3A, %dma_start3A_45, %dma_start3A_46] : memref<2x64x64xi32, #tpu.memory_space<vmem>> -> memref<1x64x64xi32, #tpu.memory_space<vmem>>
    %dma_start3A_48 = tpu.memref_squeeze %dma_start3A_47 : memref<1x64x64xi32, #tpu.memory_space<vmem>> -> memref<64x64xi32, #tpu.memory_space<vmem>>
    %dma_start3A_49 = arith.constant 0 : i32
    %dma_start3A_50 = tpu.memref_slice %arg3[%add3A_43, %dma_start3A_49] : memref<327680x64xi32, #tpu.memory_space<hbm>> -> memref<64x64xi32, #tpu.memory_space<hbm>>
    %dma_start3A_51 = tpu.memref_slice %arg13[%dma_start3A_44] : memref<2x!tpu.dma_semaphore, #tpu.memory_space<semaphore_mem>> -> memref<1x!tpu.dma_semaphore, #tpu.memory_space<semaphore_mem>>
    %dma_start3A_52 = tpu.memref_squeeze %dma_start3A_51 : memref<1x!tpu.dma_semaphore, #tpu.memory_space<semaphore_mem>> -> memref<!tpu.dma_semaphore, #tpu.memory_space<semaphore_mem>>
    %dma_start3A_53 = arith.constant 0 : i32
    %dma_start3A_54 = arith.constant 0 : i32
    %dma_start3A_55 = tpu.memref_slice %arg8[%dma_start3A, %dma_start3A_53, %dma_start3A_54] : memref<2x64x64xi32, #tpu.memory_space<vmem>> -> memref<1x64x64xi32, #tpu.memory_space<vmem>>
    %dma_start3A_56 = tpu.memref_squeeze %dma_start3A_55 : memref<1x64x64xi32, #tpu.memory_space<vmem>> -> memref<64x64xi32, #tpu.memory_space<vmem>>
    %dma_start3A_57 = arith.constant 0 : i32
    %dma_start3A_58 = tpu.memref_slice %arg3[%add3A_43, %dma_start3A_57] : memref<327680x64xi32, #tpu.memory_space<hbm>> -> memref<64x64xi32, #tpu.memory_space<hbm>>
    tpu.enqueue_dma source(%dma_start3A_58 : memref<64x64xi32, #tpu.memory_space<hbm>>) target(%dma_start3A_56 : memref<64x64xi32, #tpu.memory_space<vmem>>) target_semaphore(%dma_start3A_52 : memref<!tpu.dma_semaphore, #tpu.memory_space<semaphore_mem>>)
    %dma_start3A_59 = arith.constant 0 : i32
    %dma_start3A_60 = arith.constant 0 : i32
    %dma_start3A_61 = arith.constant 0 : i32
    %dma_start3A_62 = arith.constant 0 : i32
    %dma_start3A_63 = arith.constant 0 : i32
    %dma_start3A_64 = arith.constant 0 : i32
    %dma_start3A_65 = tpu.memref_slice %arg9[%dma_start3A_61, %dma_start3A_63, %dma_start3A_64] : memref<2x64x64xi32, #tpu.memory_space<vmem>> -> memref<1x64x64xi32, #tpu.memory_space<vmem>>
    %dma_start3A_66 = tpu.memref_squeeze %dma_start3A_65 : memref<1x64x64xi32, #tpu.memory_space<vmem>> -> memref<64x64xi32, #tpu.memory_space<vmem>>
    %dma_start3A_67 = arith.constant 0 : i32
    %dma_start3A_68 = tpu.memref_slice %arg11[%dma_start3A_59, %dma_start3A_60, %dma_start3A_67] : memref<2x8x64xi32, #tpu.memory_space<vmem>> -> memref<1x1x64xi32, #tpu.memory_space<vmem>>
    %dma_start3A_69 = tpu.memref_squeeze %dma_start3A_68 : memref<1x1x64xi32, #tpu.memory_space<vmem>> -> memref<64xi32, #tpu.memory_space<vmem>>
    %dma_start3A_70 = arith.constant 0 : i32
    %dma_start3A_71 = arith.constant 0 : i32
    %dma_start3A_72 = tpu.memref_slice %arg2[%dma_start3A_70, %dma_start3A_71] : memref<10000x64xi32, #tpu.memory_space<hbm>> -> memref<10000x64xi32, #tpu.memory_space<hbm>>
    %dma_start3A_73 = tpu.memref_slice %arg14[%dma_start3A_62] : memref<2x!tpu.dma_semaphore, #tpu.memory_space<semaphore_mem>> -> memref<1x!tpu.dma_semaphore, #tpu.memory_space<semaphore_mem>>
    %dma_start3A_74 = tpu.memref_squeeze %dma_start3A_73 : memref<1x!tpu.dma_semaphore, #tpu.memory_space<semaphore_mem>> -> memref<!tpu.dma_semaphore, #tpu.memory_space<semaphore_mem>>
    tpu.enqueue_indirect_dma source(%dma_start3A_72 : memref<10000x64xi32, #tpu.memory_space<hbm>>) target(%dma_start3A_66 : memref<64x64xi32, #tpu.memory_space<vmem>>) offsets(%dma_start3A_69 : memref<64xi32, #tpu.memory_space<vmem>>) semaphore(%dma_start3A_74 : memref<!tpu.dma_semaphore, #tpu.memory_space<semaphore_mem>>)
    %scan3A_75 = arith.constant 0 : i32
    %scan3A_76 = arith.constant -65536 : i32
    %scan3A_77 = arith.constant 0 : i32
    %scan3A_78 = arith.constant 160 : i32
    %scan3A_79 = arith.addi %scan3A_77, %scan3A_78 : i32
    %scan3A_80 = arith.constant 1 : i32
    scf.for %scan3A_114 = %scan3A_77 to %scan3A_79 step %scan3A_80  : i32 {
      %add3A_115 = arith.constant 1 : i32
      %add3A_116 = arith.addi %scan3A_114, %add3A_115 : i32
      %lt3A = arith.constant 160 : i32
      %lt3A_117 = arith.cmpi slt, %add3A_116, %lt3A : i32
      %convert_element_type3A = arith.extui %lt3A_117 : i1 to i32
      %cond3A = arith.constant 0 : i32
      %cond3A_118 = arith.cmpi ne, %convert_element_type3A, %cond3A : i32
      scf.if %cond3A_118 {
        %rem3A_278 = arith.constant 8 : i32
        %rem3A_279 = arith.remsi %add3A_116, %rem3A_278 : i32
        %eq3A_280 = arith.constant 0 : i32
        %eq3A_281 = arith.cmpi eq, %rem3A_279, %eq3A_280 : i32
        %convert_element_type3A_282 = arith.extui %eq3A_281 : i1 to i32
        %cond3A_283 = arith.constant 0 : i32
        %cond3A_284 = arith.cmpi ne, %convert_element_type3A_282, %cond3A_283 : i32
        scf.if %cond3A_284 {
          %jit3A_404 = arith.constant 8 : i32
          %div3A_405 = arith.divsi %add3A_116, %jit3A_404 : i32
          %sign3A_406 = arith.constant 0 : i32
          %sign3A_407 = arith.cmpi sgt, %add3A_116, %sign3A_406 : i32
          %sign3A_408 = arith.extui %sign3A_407 : i1 to i32
          %sign3A_409 = arith.constant 0 : i32
          %sign3A_410 = arith.cmpi slt, %add3A_116, %sign3A_409 : i32
          %sign3A_411 = arith.extui %sign3A_410 : i1 to i32
          %sign3A_412 = arith.subi %sign3A_408, %sign3A_411 : i32
          %sign3A_413 = arith.constant 0 : i32
          %sign3A_414 = arith.cmpi sgt, %jit3A_404, %sign3A_413 : i32
          %sign3A_415 = arith.extui %sign3A_414 : i1 to i32
          %sign3A_416 = arith.constant 0 : i32
          %sign3A_417 = arith.cmpi slt, %jit3A_404, %sign3A_416 : i32
          %sign3A_418 = arith.extui %sign3A_417 : i1 to i32
          %sign3A_419 = arith.subi %sign3A_415, %sign3A_418 : i32
          %ne3A_420 = arith.cmpi ne, %sign3A_412, %sign3A_419 : i32
          %rem3A_421 = arith.remsi %add3A_116, %jit3A_404 : i32
          %ne3A_422 = arith.constant 0 : i32
          %ne3A_423 = arith.cmpi ne, %rem3A_421, %ne3A_422 : i32
          %and3A_424 = arith.andi %ne3A_420, %ne3A_423 : i1
          %sub3A_425 = arith.constant 1 : i32
          %sub3A_426 = arith.subi %div3A_405, %sub3A_425 : i32
          %select_n3A_427 = arith.select %and3A_424, %sub3A_426, %div3A_405 : i32
          %jit3A_428 = arith.constant 2 : i32
          %eq3A_429 = arith.constant 0 : i32
          %eq3A_430 = arith.cmpi eq, %jit3A_428, %eq3A_429 : i32
          %jit3A_431 = arith.constant 1 : i32
          %select_n3A_432 = arith.select %eq3A_430, %jit3A_431, %jit3A_428 : i32
          %rem3A_433 = arith.remsi %select_n3A_427, %select_n3A_432 : i32
          %ne3A_434 = arith.constant 0 : i32
          %ne3A_435 = arith.cmpi ne, %rem3A_433, %ne3A_434 : i32
          %lt3A_436 = arith.constant 0 : i32
          %lt3A_437 = arith.cmpi slt, %rem3A_433, %lt3A_436 : i32
          %lt3A_438 = arith.constant 0 : i32
          %lt3A_439 = arith.cmpi slt, %select_n3A_432, %lt3A_438 : i32
          %ne3A_440 = arith.xori %lt3A_437, %lt3A_439 : i1
          %and3A_441 = arith.andi %ne3A_440, %ne3A_435 : i1
          %add3A_442 = arith.addi %rem3A_433, %select_n3A_432 : i32
          %select_n3A_443 = arith.select %and3A_441, %add3A_442, %rem3A_433 : i32
          %multiple_of3A_444 = tpu.assume_multiple %add3A_116, 8 : i32
          "tpu.region"() ({
            %run_scoped3A_445 = tpu.sem_alloc : memref<!tpu.dma_semaphore, #tpu.memory_space<semaphore_mem>>
            %dma_start3A_446 = arith.constant 0 : i32
            %dma_start3A_447 = arith.constant 0 : i32
            %dma_start3A_448 = tpu.memref_slice %arg11[%select_n3A_443, %dma_start3A_446, %dma_start3A_447] : memref<2x8x64xi32, #tpu.memory_space<vmem>> -> memref<1x8x64xi32, #tpu.memory_space<vmem>>
            %dma_start3A_449 = tpu.memref_squeeze %dma_start3A_448 : memref<1x8x64xi32, #tpu.memory_space<vmem>> -> memref<8x64xi32, #tpu.memory_space<vmem>>
            %dma_start3A_450 = arith.constant 0 : i32
            %dma_start3A_451 = tpu.memref_slice %arg4[%add3A, %multiple_of3A_444, %dma_start3A_450] : memref<32x160x64xi32, #tpu.memory_space<hbm>> -> memref<1x8x64xi32, #tpu.memory_space<hbm>>
            %dma_start3A_452 = tpu.memref_squeeze %dma_start3A_451 : memref<1x8x64xi32, #tpu.memory_space<hbm>> -> memref<8x64xi32, #tpu.memory_space<hbm>>
            %dma_start3A_453 = arith.constant 0 : i32
            %dma_start3A_454 = arith.constant 0 : i32
            %dma_start3A_455 = tpu.memref_slice %arg11[%select_n3A_443, %dma_start3A_453, %dma_start3A_454] : memref<2x8x64xi32, #tpu.memory_space<vmem>> -> memref<1x8x64xi32, #tpu.memory_space<vmem>>
            %dma_start3A_456 = tpu.memref_squeeze %dma_start3A_455 : memref<1x8x64xi32, #tpu.memory_space<vmem>> -> memref<8x64xi32, #tpu.memory_space<vmem>>
            %dma_start3A_457 = arith.constant 0 : i32
            %dma_start3A_458 = tpu.memref_slice %arg4[%add3A, %multiple_of3A_444, %dma_start3A_457] : memref<32x160x64xi32, #tpu.memory_space<hbm>> -> memref<1x8x64xi32, #tpu.memory_space<hbm>>
            %dma_start3A_459 = tpu.memref_squeeze %dma_start3A_458 : memref<1x8x64xi32, #tpu.memory_space<hbm>> -> memref<8x64xi32, #tpu.memory_space<hbm>>
            tpu.enqueue_dma source(%dma_start3A_459 : memref<8x64xi32, #tpu.memory_space<hbm>>) target(%dma_start3A_456 : memref<8x64xi32, #tpu.memory_space<vmem>>) target_semaphore(%run_scoped3A_445 : memref<!tpu.dma_semaphore, #tpu.memory_space<semaphore_mem>>)
            %dma_wait3A_460 = arith.constant 0 : i32
            %dma_wait3A_461 = arith.constant 0 : i32
            %dma_wait3A_462 = tpu.memref_slice %arg11[%select_n3A_443, %dma_wait3A_460, %dma_wait3A_461] : memref<2x8x64xi32, #tpu.memory_space<vmem>> -> memref<1x8x64xi32, #tpu.memory_space<vmem>>
            %dma_wait3A_463 = tpu.memref_squeeze %dma_wait3A_462 : memref<1x8x64xi32, #tpu.memory_space<vmem>> -> memref<8x64xi32, #tpu.memory_space<vmem>>
            %dma_wait3A_464 = arith.constant 0 : i32
            %dma_wait3A_465 = tpu.memref_slice %arg4[%add3A, %multiple_of3A_444, %dma_wait3A_464] : memref<32x160x64xi32, #tpu.memory_space<hbm>> -> memref<1x8x64xi32, #tpu.memory_space<hbm>>
            %dma_wait3A_466 = tpu.memref_squeeze %dma_wait3A_465 : memref<1x8x64xi32, #tpu.memory_space<hbm>> -> memref<8x64xi32, #tpu.memory_space<hbm>>
            %dma_wait3A_467 = arith.constant 0 : i32
            %dma_wait3A_468 = arith.constant 0 : i32
            %dma_wait3A_469 = tpu.memref_slice %arg11[%select_n3A_443, %dma_wait3A_467, %dma_wait3A_468] : memref<2x8x64xi32, #tpu.memory_space<vmem>> -> memref<1x8x64xi32, #tpu.memory_space<vmem>>
            %dma_wait3A_470 = tpu.memref_squeeze %dma_wait3A_469 : memref<1x8x64xi32, #tpu.memory_space<vmem>> -> memref<8x64xi32, #tpu.memory_space<vmem>>
            %dma_wait3A_471 = arith.constant 0 : i32
            %dma_wait3A_472 = tpu.memref_slice %arg4[%add3A, %multiple_of3A_444, %dma_wait3A_471] : memref<32x160x64xi32, #tpu.memory_space<hbm>> -> memref<1x8x64xi32, #tpu.memory_space<hbm>>
            %dma_wait3A_473 = tpu.memref_squeeze %dma_wait3A_472 : memref<1x8x64xi32, #tpu.memory_space<hbm>> -> memref<8x64xi32, #tpu.memory_space<hbm>>
            tpu.wait_dma2 semaphore(%run_scoped3A_445 : memref<!tpu.dma_semaphore, #tpu.memory_space<semaphore_mem>>) src(%dma_wait3A_473 : memref<8x64xi32, #tpu.memory_space<hbm>>) dst(%dma_wait3A_470 : memref<8x64xi32, #tpu.memory_space<vmem>>)
            tpu.yield
          }) : () -> ()
          "tpu.region"() ({
            %run_scoped3A_445 = tpu.sem_alloc : memref<!tpu.dma_semaphore, #tpu.memory_space<semaphore_mem>>
            %dma_start3A_446 = arith.constant 0 : i32
            %dma_start3A_447 = arith.constant 0 : i32
            %dma_start3A_448 = tpu.memref_slice %arg12[%select_n3A_443, %dma_start3A_446, %dma_start3A_447] : memref<2x8x64xi32, #tpu.memory_space<vmem>> -> memref<1x8x64xi32, #tpu.memory_space<vmem>>
            %dma_start3A_449 = tpu.memref_squeeze %dma_start3A_448 : memref<1x8x64xi32, #tpu.memory_space<vmem>> -> memref<8x64xi32, #tpu.memory_space<vmem>>
            %dma_start3A_450 = arith.constant 0 : i32
            %dma_start3A_451 = tpu.memref_slice %arg5[%add3A, %multiple_of3A_444, %dma_start3A_450] : memref<32x160x64xi32, #tpu.memory_space<hbm>> -> memref<1x8x64xi32, #tpu.memory_space<hbm>>
            %dma_start3A_452 = tpu.memref_squeeze %dma_start3A_451 : memref<1x8x64xi32, #tpu.memory_space<hbm>> -> memref<8x64xi32, #tpu.memory_space<hbm>>
            %dma_start3A_453 = arith.constant 0 : i32
            %dma_start3A_454 = arith.constant 0 : i32
            %dma_start3A_455 = tpu.memref_slice %arg12[%select_n3A_443, %dma_start3A_453, %dma_start3A_454] : memref<2x8x64xi32, #tpu.memory_space<vmem>> -> memref<1x8x64xi32, #tpu.memory_space<vmem>>
            %dma_start3A_456 = tpu.memref_squeeze %dma_start3A_455 : memref<1x8x64xi32, #tpu.memory_space<vmem>> -> memref<8x64xi32, #tpu.memory_space<vmem>>
            %dma_start3A_457 = arith.constant 0 : i32
            %dma_start3A_458 = tpu.memref_slice %arg5[%add3A, %multiple_of3A_444, %dma_start3A_457] : memref<32x160x64xi32, #tpu.memory_space<hbm>> -> memref<1x8x64xi32, #tpu.memory_space<hbm>>
            %dma_start3A_459 = tpu.memref_squeeze %dma_start3A_458 : memref<1x8x64xi32, #tpu.memory_space<hbm>> -> memref<8x64xi32, #tpu.memory_space<hbm>>
            tpu.enqueue_dma source(%dma_start3A_459 : memref<8x64xi32, #tpu.memory_space<hbm>>) target(%dma_start3A_456 : memref<8x64xi32, #tpu.memory_space<vmem>>) target_semaphore(%run_scoped3A_445 : memref<!tpu.dma_semaphore, #tpu.memory_space<semaphore_mem>>)
            %dma_wait3A_460 = arith.constant 0 : i32
            %dma_wait3A_461 = arith.constant 0 : i32
            %dma_wait3A_462 = tpu.memref_slice %arg12[%select_n3A_443, %dma_wait3A_460, %dma_wait3A_461] : memref<2x8x64xi32, #tpu.memory_space<vmem>> -> memref<1x8x64xi32, #tpu.memory_space<vmem>>
            %dma_wait3A_463 = tpu.memref_squeeze %dma_wait3A_462 : memref<1x8x64xi32, #tpu.memory_space<vmem>> -> memref<8x64xi32, #tpu.memory_space<vmem>>
            %dma_wait3A_464 = arith.constant 0 : i32
            %dma_wait3A_465 = tpu.memref_slice %arg5[%add3A, %multiple_of3A_444, %dma_wait3A_464] : memref<32x160x64xi32, #tpu.memory_space<hbm>> -> memref<1x8x64xi32, #tpu.memory_space<hbm>>
            %dma_wait3A_466 = tpu.memref_squeeze %dma_wait3A_465 : memref<1x8x64xi32, #tpu.memory_space<hbm>> -> memref<8x64xi32, #tpu.memory_space<hbm>>
            %dma_wait3A_467 = arith.constant 0 : i32
            %dma_wait3A_468 = arith.constant 0 : i32
            %dma_wait3A_469 = tpu.memref_slice %arg12[%select_n3A_443, %dma_wait3A_467, %dma_wait3A_468] : memref<2x8x64xi32, #tpu.memory_space<vmem>> -> memref<1x8x64xi32, #tpu.memory_space<vmem>>
            %dma_wait3A_470 = tpu.memref_squeeze %dma_wait3A_469 : memref<1x8x64xi32, #tpu.memory_space<vmem>> -> memref<8x64xi32, #tpu.memory_space<vmem>>
            %dma_wait3A_471 = arith.constant 0 : i32
            %dma_wait3A_472 = tpu.memref_slice %arg5[%add3A, %multiple_of3A_444, %dma_wait3A_471] : memref<32x160x64xi32, #tpu.memory_space<hbm>> -> memref<1x8x64xi32, #tpu.memory_space<hbm>>
            %dma_wait3A_473 = tpu.memref_squeeze %dma_wait3A_472 : memref<1x8x64xi32, #tpu.memory_space<hbm>> -> memref<8x64xi32, #tpu.memory_space<hbm>>
            tpu.wait_dma2 semaphore(%run_scoped3A_445 : memref<!tpu.dma_semaphore, #tpu.memory_space<semaphore_mem>>) src(%dma_wait3A_473 : memref<8x64xi32, #tpu.memory_space<hbm>>) dst(%dma_wait3A_470 : memref<8x64xi32, #tpu.memory_space<vmem>>)
            tpu.yield
          }) : () -> ()
        } else {
        }
        %jit3A_285 = arith.constant 2 : i32
        %eq3A_286 = arith.constant 0 : i32
        %eq3A_287 = arith.cmpi eq, %jit3A_285, %eq3A_286 : i32
        %jit3A_288 = arith.constant 1 : i32
        %select_n3A_289 = arith.select %eq3A_287, %jit3A_288, %jit3A_285 : i32
        %rem3A_290 = arith.remsi %add3A_116, %select_n3A_289 : i32
        %ne3A_291 = arith.constant 0 : i32
        %ne3A_292 = arith.cmpi ne, %rem3A_290, %ne3A_291 : i32
        %lt3A_293 = arith.constant 0 : i32
        %lt3A_294 = arith.cmpi slt, %rem3A_290, %lt3A_293 : i32
        %lt3A_295 = arith.constant 0 : i32
        %lt3A_296 = arith.cmpi slt, %select_n3A_289, %lt3A_295 : i32
        %ne3A_297 = arith.xori %lt3A_294, %lt3A_296 : i1
        %and3A_298 = arith.andi %ne3A_297, %ne3A_292 : i1
        %add3A_299 = arith.addi %rem3A_290, %select_n3A_289 : i32
        %select_n3A_300 = arith.select %and3A_298, %add3A_299, %rem3A_290 : i32
        %mul3A_301 = arith.constant 10240 : i32
        %mul3A_302 = arith.muli %add3A, %mul3A_301 : i32
        %mul3A_303 = arith.constant 64 : i32
        %mul3A_304 = arith.muli %add3A_116, %mul3A_303 : i32
        %add3A_305 = arith.addi %mul3A_302, %mul3A_304 : i32
        %dma_start3A_306 = arith.constant 0 : i32
        %dma_start3A_307 = arith.constant 0 : i32
        %dma_start3A_308 = tpu.memref_slice %arg8[%select_n3A_300, %dma_start3A_306, %dma_start3A_307] : memref<2x64x64xi32, #tpu.memory_space<vmem>> -> memref<1x64x64xi32, #tpu.memory_space<vmem>>
        %dma_start3A_309 = tpu.memref_squeeze %dma_start3A_308 : memref<1x64x64xi32, #tpu.memory_space<vmem>> -> memref<64x64xi32, #tpu.memory_space<vmem>>
        %dma_start3A_310 = arith.constant 0 : i32
        %dma_start3A_311 = tpu.memref_slice %arg3[%add3A_305, %dma_start3A_310] : memref<327680x64xi32, #tpu.memory_space<hbm>> -> memref<64x64xi32, #tpu.memory_space<hbm>>
        %dma_start3A_312 = tpu.memref_slice %arg13[%select_n3A_300] : memref<2x!tpu.dma_semaphore, #tpu.memory_space<semaphore_mem>> -> memref<1x!tpu.dma_semaphore, #tpu.memory_space<semaphore_mem>>
        %dma_start3A_313 = tpu.memref_squeeze %dma_start3A_312 : memref<1x!tpu.dma_semaphore, #tpu.memory_space<semaphore_mem>> -> memref<!tpu.dma_semaphore, #tpu.memory_space<semaphore_mem>>
        %dma_start3A_314 = arith.constant 0 : i32
        %dma_start3A_315 = arith.constant 0 : i32
        %dma_start3A_316 = tpu.memref_slice %arg8[%select_n3A_300, %dma_start3A_314, %dma_start3A_315] : memref<2x64x64xi32, #tpu.memory_space<vmem>> -> memref<1x64x64xi32, #tpu.memory_space<vmem>>
        %dma_start3A_317 = tpu.memref_squeeze %dma_start3A_316 : memref<1x64x64xi32, #tpu.memory_space<vmem>> -> memref<64x64xi32, #tpu.memory_space<vmem>>
        %dma_start3A_318 = arith.constant 0 : i32
        %dma_start3A_319 = tpu.memref_slice %arg3[%add3A_305, %dma_start3A_318] : memref<327680x64xi32, #tpu.memory_space<hbm>> -> memref<64x64xi32, #tpu.memory_space<hbm>>
        tpu.enqueue_dma source(%dma_start3A_319 : memref<64x64xi32, #tpu.memory_space<hbm>>) target(%dma_start3A_317 : memref<64x64xi32, #tpu.memory_space<vmem>>) target_semaphore(%dma_start3A_313 : memref<!tpu.dma_semaphore, #tpu.memory_space<semaphore_mem>>)
        %jit3A_320 = arith.constant 2 : i32
        %eq3A_321 = arith.constant 0 : i32
        %eq3A_322 = arith.cmpi eq, %jit3A_320, %eq3A_321 : i32
        %jit3A_323 = arith.constant 1 : i32
        %select_n3A_324 = arith.select %eq3A_322, %jit3A_323, %jit3A_320 : i32
        %rem3A_325 = arith.remsi %add3A_116, %select_n3A_324 : i32
        %ne3A_326 = arith.constant 0 : i32
        %ne3A_327 = arith.cmpi ne, %rem3A_325, %ne3A_326 : i32
        %lt3A_328 = arith.constant 0 : i32
        %lt3A_329 = arith.cmpi slt, %rem3A_325, %lt3A_328 : i32
        %lt3A_330 = arith.constant 0 : i32
        %lt3A_331 = arith.cmpi slt, %select_n3A_324, %lt3A_330 : i32
        %ne3A_332 = arith.xori %lt3A_329, %lt3A_331 : i1
        %and3A_333 = arith.andi %ne3A_332, %ne3A_327 : i1
        %add3A_334 = arith.addi %rem3A_325, %select_n3A_324 : i32
        %select_n3A_335 = arith.select %and3A_333, %add3A_334, %rem3A_325 : i32
        %jit3A_336 = arith.constant 8 : i32
        %div3A_337 = arith.divsi %add3A_116, %jit3A_336 : i32
        %sign3A_338 = arith.constant 0 : i32
        %sign3A_339 = arith.cmpi sgt, %add3A_116, %sign3A_338 : i32
        %sign3A_340 = arith.extui %sign3A_339 : i1 to i32
        %sign3A_341 = arith.constant 0 : i32
        %sign3A_342 = arith.cmpi slt, %add3A_116, %sign3A_341 : i32
        %sign3A_343 = arith.extui %sign3A_342 : i1 to i32
        %sign3A_344 = arith.subi %sign3A_340, %sign3A_343 : i32
        %sign3A_345 = arith.constant 0 : i32
        %sign3A_346 = arith.cmpi sgt, %jit3A_336, %sign3A_345 : i32
        %sign3A_347 = arith.extui %sign3A_346 : i1 to i32
        %sign3A_348 = arith.constant 0 : i32
        %sign3A_349 = arith.cmpi slt, %jit3A_336, %sign3A_348 : i32
        %sign3A_350 = arith.extui %sign3A_349 : i1 to i32
        %sign3A_351 = arith.subi %sign3A_347, %sign3A_350 : i32
        %ne3A_352 = arith.cmpi ne, %sign3A_344, %sign3A_351 : i32
        %rem3A_353 = arith.remsi %add3A_116, %jit3A_336 : i32
        %ne3A_354 = arith.constant 0 : i32
        %ne3A_355 = arith.cmpi ne, %rem3A_353, %ne3A_354 : i32
        %and3A_356 = arith.andi %ne3A_352, %ne3A_355 : i1
        %sub3A_357 = arith.constant 1 : i32
        %sub3A_358 = arith.subi %div3A_337, %sub3A_357 : i32
        %select_n3A_359 = arith.select %and3A_356, %sub3A_358, %div3A_337 : i32
        %jit3A_360 = arith.constant 2 : i32
        %eq3A_361 = arith.constant 0 : i32
        %eq3A_362 = arith.cmpi eq, %jit3A_360, %eq3A_361 : i32
        %jit3A_363 = arith.constant 1 : i32
        %select_n3A_364 = arith.select %eq3A_362, %jit3A_363, %jit3A_360 : i32
        %rem3A_365 = arith.remsi %select_n3A_359, %select_n3A_364 : i32
        %ne3A_366 = arith.constant 0 : i32
        %ne3A_367 = arith.cmpi ne, %rem3A_365, %ne3A_366 : i32
        %lt3A_368 = arith.constant 0 : i32
        %lt3A_369 = arith.cmpi slt, %rem3A_365, %lt3A_368 : i32
        %lt3A_370 = arith.constant 0 : i32
        %lt3A_371 = arith.cmpi slt, %select_n3A_364, %lt3A_370 : i32
        %ne3A_372 = arith.xori %lt3A_369, %lt3A_371 : i1
        %and3A_373 = arith.andi %ne3A_372, %ne3A_367 : i1
        %add3A_374 = arith.addi %rem3A_365, %select_n3A_364 : i32
        %select_n3A_375 = arith.select %and3A_373, %add3A_374, %rem3A_365 : i32
        %jit3A_376 = arith.constant 8 : i32
        %eq3A_377 = arith.constant 0 : i32
        %eq3A_378 = arith.cmpi eq, %jit3A_376, %eq3A_377 : i32
        %jit3A_379 = arith.constant 1 : i32
        %select_n3A_380 = arith.select %eq3A_378, %jit3A_379, %jit3A_376 : i32
        %rem3A_381 = arith.remsi %add3A_116, %select_n3A_380 : i32
        %ne3A_382 = arith.constant 0 : i32
        %ne3A_383 = arith.cmpi ne, %rem3A_381, %ne3A_382 : i32
        %lt3A_384 = arith.constant 0 : i32
        %lt3A_385 = arith.cmpi slt, %rem3A_381, %lt3A_384 : i32
        %lt3A_386 = arith.constant 0 : i32
        %lt3A_387 = arith.cmpi slt, %select_n3A_380, %lt3A_386 : i32
        %ne3A_388 = arith.xori %lt3A_385, %lt3A_387 : i1
        %and3A_389 = arith.andi %ne3A_388, %ne3A_383 : i1
        %add3A_390 = arith.addi %rem3A_381, %select_n3A_380 : i32
        %select_n3A_391 = arith.select %and3A_389, %add3A_390, %rem3A_381 : i32
        %dma_start3A_392 = arith.constant 0 : i32
        %dma_start3A_393 = arith.constant 0 : i32
        %dma_start3A_394 = tpu.memref_slice %arg9[%select_n3A_335, %dma_start3A_392, %dma_start3A_393] : memref<2x64x64xi32, #tpu.memory_space<vmem>> -> memref<1x64x64xi32, #tpu.memory_space<vmem>>
        %dma_start3A_395 = tpu.memref_squeeze %dma_start3A_394 : memref<1x64x64xi32, #tpu.memory_space<vmem>> -> memref<64x64xi32, #tpu.memory_space<vmem>>
        %dma_start3A_396 = arith.constant 0 : i32
        %dma_start3A_397 = tpu.memref_slice %arg11[%select_n3A_375, %select_n3A_391, %dma_start3A_396] : memref<2x8x64xi32, #tpu.memory_space<vmem>> -> memref<1x1x64xi32, #tpu.memory_space<vmem>>
        %dma_start3A_398 = tpu.memref_squeeze %dma_start3A_397 : memref<1x1x64xi32, #tpu.memory_space<vmem>> -> memref<64xi32, #tpu.memory_space<vmem>>
        %dma_start3A_399 = arith.constant 0 : i32
        %dma_start3A_400 = arith.constant 0 : i32
        %dma_start3A_401 = tpu.memref_slice %arg2[%dma_start3A_399, %dma_start3A_400] : memref<10000x64xi32, #tpu.memory_space<hbm>> -> memref<10000x64xi32, #tpu.memory_space<hbm>>
        %dma_start3A_402 = tpu.memref_slice %arg14[%select_n3A_335] : memref<2x!tpu.dma_semaphore, #tpu.memory_space<semaphore_mem>> -> memref<1x!tpu.dma_semaphore, #tpu.memory_space<semaphore_mem>>
        %dma_start3A_403 = tpu.memref_squeeze %dma_start3A_402 : memref<1x!tpu.dma_semaphore, #tpu.memory_space<semaphore_mem>> -> memref<!tpu.dma_semaphore, #tpu.memory_space<semaphore_mem>>
        tpu.enqueue_indirect_dma source(%dma_start3A_401 : memref<10000x64xi32, #tpu.memory_space<hbm>>) target(%dma_start3A_395 : memref<64x64xi32, #tpu.memory_space<vmem>>) offsets(%dma_start3A_398 : memref<64xi32, #tpu.memory_space<vmem>>) semaphore(%dma_start3A_403 : memref<!tpu.dma_semaphore, #tpu.memory_space<semaphore_mem>>)
      } else {
      }
      %jit3A = arith.constant 2 : i32
      %eq3A = arith.constant 0 : i32
      %eq3A_119 = arith.cmpi eq, %jit3A, %eq3A : i32
      %jit3A_120 = arith.constant 1 : i32
      %select_n3A = arith.select %eq3A_119, %jit3A_120, %jit3A : i32
      %rem3A = arith.remsi %scan3A_114, %select_n3A : i32
      %ne3A = arith.constant 0 : i32
      %ne3A_121 = arith.cmpi ne, %rem3A, %ne3A : i32
      %lt3A_122 = arith.constant 0 : i32
      %lt3A_123 = arith.cmpi slt, %rem3A, %lt3A_122 : i32
      %lt3A_124 = arith.constant 0 : i32
      %lt3A_125 = arith.cmpi slt, %select_n3A, %lt3A_124 : i32
      %ne3A_126 = arith.xori %lt3A_123, %lt3A_125 : i1
      %and3A = arith.andi %ne3A_126, %ne3A_121 : i1
      %add3A_127 = arith.addi %rem3A, %select_n3A : i32
      %select_n3A_128 = arith.select %and3A, %add3A_127, %rem3A : i32
      %dma_wait3A_129 = arith.constant 0 : i32
      %dma_wait3A_130 = arith.constant 0 : i32
      %dma_wait3A_131 = tpu.memref_slice %arg8[%select_n3A_128, %dma_wait3A_129, %dma_wait3A_130] : memref<2x64x64xi32, #tpu.memory_space<vmem>> -> memref<1x64x64xi32, #tpu.memory_space<vmem>>
      %dma_wait3A_132 = tpu.memref_squeeze %dma_wait3A_131 : memref<1x64x64xi32, #tpu.memory_space<vmem>> -> memref<64x64xi32, #tpu.memory_space<vmem>>
      %dma_wait3A_133 = arith.constant 0 : i32
      %dma_wait3A_134 = arith.constant 0 : i32
      %dma_wait3A_135 = tpu.memref_slice %arg3[%dma_wait3A_133, %dma_wait3A_134] : memref<327680x64xi32, #tpu.memory_space<hbm>> -> memref<64x64xi32, #tpu.memory_space<hbm>>
      %dma_wait3A_136 = tpu.memref_slice %arg13[%select_n3A_128] : memref<2x!tpu.dma_semaphore, #tpu.memory_space<semaphore_mem>> -> memref<1x!tpu.dma_semaphore, #tpu.memory_space<semaphore_mem>>
      %dma_wait3A_137 = tpu.memref_squeeze %dma_wait3A_136 : memref<1x!tpu.dma_semaphore, #tpu.memory_space<semaphore_mem>> -> memref<!tpu.dma_semaphore, #tpu.memory_space<semaphore_mem>>
      %dma_wait3A_138 = arith.constant 0 : i32
      %dma_wait3A_139 = arith.constant 0 : i32
      %dma_wait3A_140 = tpu.memref_slice %arg8[%select_n3A_128, %dma_wait3A_138, %dma_wait3A_139] : memref<2x64x64xi32, #tpu.memory_space<vmem>> -> memref<1x64x64xi32, #tpu.memory_space<vmem>>
      %dma_wait3A_141 = tpu.memref_squeeze %dma_wait3A_140 : memref<1x64x64xi32, #tpu.memory_space<vmem>> -> memref<64x64xi32, #tpu.memory_space<vmem>>
      %dma_wait3A_142 = arith.constant 0 : i32
      %dma_wait3A_143 = arith.constant 0 : i32
      %dma_wait3A_144 = tpu.memref_slice %arg3[%dma_wait3A_142, %dma_wait3A_143] : memref<327680x64xi32, #tpu.memory_space<hbm>> -> memref<64x64xi32, #tpu.memory_space<hbm>>
      tpu.wait_dma2 semaphore(%dma_wait3A_137 : memref<!tpu.dma_semaphore, #tpu.memory_space<semaphore_mem>>) src(%dma_wait3A_144 : memref<64x64xi32, #tpu.memory_space<hbm>>) dst(%dma_wait3A_141 : memref<64x64xi32, #tpu.memory_space<vmem>>)
      %jit3A_145 = arith.constant 2 : i32
      %eq3A_146 = arith.constant 0 : i32
      %eq3A_147 = arith.cmpi eq, %jit3A_145, %eq3A_146 : i32
      %jit3A_148 = arith.constant 1 : i32
      %select_n3A_149 = arith.select %eq3A_147, %jit3A_148, %jit3A_145 : i32
      %rem3A_150 = arith.remsi %scan3A_114, %select_n3A_149 : i32
      %ne3A_151 = arith.constant 0 : i32
      %ne3A_152 = arith.cmpi ne, %rem3A_150, %ne3A_151 : i32
      %lt3A_153 = arith.constant 0 : i32
      %lt3A_154 = arith.cmpi slt, %rem3A_150, %lt3A_153 : i32
      %lt3A_155 = arith.constant 0 : i32
      %lt3A_156 = arith.cmpi slt, %select_n3A_149, %lt3A_155 : i32
      %ne3A_157 = arith.xori %lt3A_154, %lt3A_156 : i1
      %and3A_158 = arith.andi %ne3A_157, %ne3A_152 : i1
      %add3A_159 = arith.addi %rem3A_150, %select_n3A_149 : i32
      %select_n3A_160 = arith.select %and3A_158, %add3A_159, %rem3A_150 : i32
      %dma_wait3A_161 = arith.constant 0 : i32
      %dma_wait3A_162 = arith.constant 0 : i32
      %dma_wait3A_163 = arith.constant 0 : i32
      %dma_wait3A_164 = arith.constant 0 : i32
      %dma_wait3A_165 = tpu.memref_slice %arg9[%select_n3A_160, %dma_wait3A_163, %dma_wait3A_164] : memref<2x64x64xi32, #tpu.memory_space<vmem>> -> memref<1x64x64xi32, #tpu.memory_space<vmem>>
      %dma_wait3A_166 = tpu.memref_squeeze %dma_wait3A_165 : memref<1x64x64xi32, #tpu.memory_space<vmem>> -> memref<64x64xi32, #tpu.memory_space<vmem>>
      %dma_wait3A_167 = arith.constant 0 : i32
      %dma_wait3A_168 = tpu.memref_slice %arg11[%dma_wait3A_161, %dma_wait3A_162, %dma_wait3A_167] : memref<2x8x64xi32, #tpu.memory_space<vmem>> -> memref<1x1x64xi32, #tpu.memory_space<vmem>>
      %dma_wait3A_169 = tpu.memref_squeeze %dma_wait3A_168 : memref<1x1x64xi32, #tpu.memory_space<vmem>> -> memref<64xi32, #tpu.memory_space<vmem>>
      %dma_wait3A_170 = arith.constant 0 : i32
      %dma_wait3A_171 = arith.constant 0 : i32
      %dma_wait3A_172 = tpu.memref_slice %arg2[%dma_wait3A_170, %dma_wait3A_171] : memref<10000x64xi32, #tpu.memory_space<hbm>> -> memref<10000x64xi32, #tpu.memory_space<hbm>>
      %dma_wait3A_173 = tpu.memref_slice %arg14[%select_n3A_160] : memref<2x!tpu.dma_semaphore, #tpu.memory_space<semaphore_mem>> -> memref<1x!tpu.dma_semaphore, #tpu.memory_space<semaphore_mem>>
      %dma_wait3A_174 = tpu.memref_squeeze %dma_wait3A_173 : memref<1x!tpu.dma_semaphore, #tpu.memory_space<semaphore_mem>> -> memref<!tpu.dma_semaphore, #tpu.memory_space<semaphore_mem>>
      tpu.wait_indirect_dma semaphore(%dma_wait3A_174 : memref<!tpu.dma_semaphore, #tpu.memory_space<semaphore_mem>>) src(%dma_wait3A_172 : memref<10000x64xi32, #tpu.memory_space<hbm>>) dst(%dma_wait3A_166 : memref<64x64xi32, #tpu.memory_space<vmem>>)
      %ge3A = arith.constant 2 : i32
      %ge3A_175 = arith.cmpi sge, %scan3A_114, %ge3A : i32
      %convert_element_type3A_176 = arith.extui %ge3A_175 : i1 to i32
      %cond3A_177 = arith.constant 0 : i32
      %cond3A_178 = arith.cmpi ne, %convert_element_type3A_176, %cond3A_177 : i32
      scf.if %cond3A_178 {
        %jit3A_278 = arith.constant 2 : i32
        %eq3A_279 = arith.constant 0 : i32
        %eq3A_280 = arith.cmpi eq, %jit3A_278, %eq3A_279 : i32
        %jit3A_281 = arith.constant 1 : i32
        %select_n3A_282 = arith.select %eq3A_280, %jit3A_281, %jit3A_278 : i32
        %rem3A_283 = arith.remsi %scan3A_114, %select_n3A_282 : i32
        %ne3A_284 = arith.constant 0 : i32
        %ne3A_285 = arith.cmpi ne, %rem3A_283, %ne3A_284 : i32
        %lt3A_286 = arith.constant 0 : i32
        %lt3A_287 = arith.cmpi slt, %rem3A_283, %lt3A_286 : i32
        %lt3A_288 = arith.constant 0 : i32
        %lt3A_289 = arith.cmpi slt, %select_n3A_282, %lt3A_288 : i32
        %ne3A_290 = arith.xori %lt3A_287, %lt3A_289 : i1
        %and3A_291 = arith.andi %ne3A_290, %ne3A_285 : i1
        %add3A_292 = arith.addi %rem3A_283, %select_n3A_282 : i32
        %select_n3A_293 = arith.select %and3A_291, %add3A_292, %rem3A_283 : i32
        %dma_wait3A_294 = arith.constant 0 : i32
        %dma_wait3A_295 = arith.constant 0 : i32
        %dma_wait3A_296 = arith.constant 0 : i32
        %dma_wait3A_297 = arith.constant 0 : i32
        %dma_wait3A_298 = tpu.memref_slice %arg10[%select_n3A_293, %dma_wait3A_296, %dma_wait3A_297] : memref<2x64x128xf32, #tpu.memory_space<vmem>> -> memref<1x64x128xf32, #tpu.memory_space<vmem>>
        %dma_wait3A_299 = tpu.memref_squeeze %dma_wait3A_298 : memref<1x64x128xf32, #tpu.memory_space<vmem>> -> memref<64x128xf32, #tpu.memory_space<vmem>>
        %dma_wait3A_300 = arith.constant 0 : i32
        %dma_wait3A_301 = tpu.memref_slice %arg12[%dma_wait3A_294, %dma_wait3A_295, %dma_wait3A_300] : memref<2x8x64xi32, #tpu.memory_space<vmem>> -> memref<1x1x64xi32, #tpu.memory_space<vmem>>
        %dma_wait3A_302 = tpu.memref_squeeze %dma_wait3A_301 : memref<1x1x64xi32, #tpu.memory_space<vmem>> -> memref<64xi32, #tpu.memory_space<vmem>>
        %dma_wait3A_303 = arith.constant 0 : i32
        %dma_wait3A_304 = arith.constant 0 : i32
        %dma_wait3A_305 = tpu.memref_slice %arg7[%dma_wait3A_303, %dma_wait3A_304] : memref<10112x128xf32, #tpu.memory_space<vmem_shared>> -> memref<10112x128xf32, #tpu.memory_space<vmem_shared>>
        %dma_wait3A_306 = tpu.memref_slice %arg15[%select_n3A_293] : memref<2x!tpu.dma_semaphore, #tpu.memory_space<semaphore_mem>> -> memref<1x!tpu.dma_semaphore, #tpu.memory_space<semaphore_mem>>
        %dma_wait3A_307 = tpu.memref_squeeze %dma_wait3A_306 : memref<1x!tpu.dma_semaphore, #tpu.memory_space<semaphore_mem>> -> memref<!tpu.dma_semaphore, #tpu.memory_space<semaphore_mem>>
        tpu.wait_indirect_dma semaphore(%dma_wait3A_307 : memref<!tpu.dma_semaphore, #tpu.memory_space<semaphore_mem>>) src(%dma_wait3A_299 : memref<64x128xf32, #tpu.memory_space<vmem>>) dst(%dma_wait3A_305 : memref<10112x128xf32, #tpu.memory_space<vmem_shared>>)
      } else {
      }
      %jit3A_179 = arith.constant 2 : i32
      %eq3A_180 = arith.constant 0 : i32
      %eq3A_181 = arith.cmpi eq, %jit3A_179, %eq3A_180 : i32
      %jit3A_182 = arith.constant 1 : i32
      %select_n3A_183 = arith.select %eq3A_181, %jit3A_182, %jit3A_179 : i32
      %rem3A_184 = arith.remsi %scan3A_114, %select_n3A_183 : i32
      %ne3A_185 = arith.constant 0 : i32
      %ne3A_186 = arith.cmpi ne, %rem3A_184, %ne3A_185 : i32
      %lt3A_187 = arith.constant 0 : i32
      %lt3A_188 = arith.cmpi slt, %rem3A_184, %lt3A_187 : i32
      %lt3A_189 = arith.constant 0 : i32
      %lt3A_190 = arith.cmpi slt, %select_n3A_183, %lt3A_189 : i32
      %ne3A_191 = arith.xori %lt3A_188, %lt3A_190 : i1
      %and3A_192 = arith.andi %ne3A_191, %ne3A_186 : i1
      %add3A_193 = arith.addi %rem3A_184, %select_n3A_183 : i32
      %select_n3A_194 = arith.select %and3A_192, %add3A_193, %rem3A_184 : i32
      %parallel_loop3A = arith.constant 0 : i32
      %parallel_loop3A_195 = arith.constant 64 : i32
      %parallel_loop3A_196 = arith.constant 1 : i32
      scf.for %parallel_loop3A_278 = %parallel_loop3A to %parallel_loop3A_195 step %parallel_loop3A_196  : i32 {
        %parallel_loop3A_279 = arith.index_cast %select_n3A_194 : i32 to index
        %parallel_loop3A_280 = arith.index_cast %parallel_loop3A_278 : i32 to index
        %parallel_loop3A_281 = arith.constant 0 : index
        %parallel_loop3A_282 = tpu.vector_load %arg8[%parallel_loop3A_279, %parallel_loop3A_280, %parallel_loop3A_281] {strides = array<i32>} : memref<2x64x64xi32, #tpu.memory_space<vmem>>, vector<1x1x16xi32>,
        %parallel_loop3A_283 = vector.shape_cast %parallel_loop3A_282 : vector<1x1x16xi32> to vector<16xi32>
        %parallel_loop3A_284 = arith.index_cast %select_n3A_194 : i32 to index
        %parallel_loop3A_285 = arith.index_cast %parallel_loop3A_278 : i32 to index
        %parallel_loop3A_286 = arith.constant 0 : index
        %parallel_loop3A_287 = tpu.vector_load %arg9[%parallel_loop3A_284, %parallel_loop3A_285, %parallel_loop3A_286] {strides = array<i32>} : memref<2x64x64xi32, #tpu.memory_space<vmem>>, vector<1x1x16xi32>,
        %parallel_loop3A_288 = vector.shape_cast %parallel_loop3A_287 : vector<1x1x16xi32> to vector<16xi32>
        %parallel_loop3A_289 = arith.constant 16 : i32
        %parallel_loop3A_290 = vector.broadcast %parallel_loop3A_289 : i32 to vector<16xi32>
        %parallel_loop3A_291 = arith.shli %parallel_loop3A_283, %parallel_loop3A_290 : vector<16xi32>
        %parallel_loop3A_292 = tpu.bitcast %parallel_loop3A_291 : vector<16xi32> -> vector<16xf32>
        %parallel_loop3A_293 = vector.broadcast %scan3A_76 : i32 to vector<16xi32>
        %parallel_loop3A_294 = arith.andi %parallel_loop3A_283, %parallel_loop3A_293 : vector<16xi32>
        %parallel_loop3A_295 = tpu.bitcast %parallel_loop3A_294 : vector<16xi32> -> vector<16xf32>
        %parallel_loop3A_296 = arith.constant 16 : i32
        %parallel_loop3A_297 = vector.broadcast %parallel_loop3A_296 : i32 to vector<16xi32>
        %parallel_loop3A_298 = arith.shli %parallel_loop3A_288, %parallel_loop3A_297 : vector<16xi32>
        %parallel_loop3A_299 = tpu.bitcast %parallel_loop3A_298 : vector<16xi32> -> vector<16xf32>
        %parallel_loop3A_300 = vector.broadcast %scan3A_76 : i32 to vector<16xi32>
        %parallel_loop3A_301 = arith.andi %parallel_loop3A_288, %parallel_loop3A_300 : vector<16xi32>
        %parallel_loop3A_302 = tpu.bitcast %parallel_loop3A_301 : vector<16xi32> -> vector<16xf32>
        %parallel_loop3A_303 = arith.mulf %parallel_loop3A_299, %parallel_loop3A_292 : vector<16xf32>
        %parallel_loop3A_304 = arith.index_cast %select_n3A_194 : i32 to index
        %parallel_loop3A_305 = arith.index_cast %parallel_loop3A_278 : i32 to index
        %parallel_loop3A_306 = arith.constant 0 : index
        %parallel_loop3A_307 = tpu.vector_load %arg10[%parallel_loop3A_304, %parallel_loop3A_305, %parallel_loop3A_306] {strides = array<i32>} : memref<2x64x128xf32, #tpu.memory_space<vmem>>, vector<1x1x16xf32>,
        %parallel_loop3A_308 = vector.shape_cast %parallel_loop3A_307 : vector<1x1x16xf32> to vector<16xf32>
        %parallel_loop3A_309 = vector.shape_cast %parallel_loop3A_303 : vector<16xf32> to vector<1x1x16xf32>
        tpu.vector_store %arg10[%parallel_loop3A_304, %parallel_loop3A_305, %parallel_loop3A_306], %parallel_loop3A_309 {strides = array<i32>} : memref<2x64x128xf32, #tpu.memory_space<vmem>>, vector<1x1x16xf32>,
        %parallel_loop3A_310 = arith.mulf %parallel_loop3A_302, %parallel_loop3A_295 : vector<16xf32>
        %parallel_loop3A_311 = arith.index_cast %select_n3A_194 : i32 to index
        %parallel_loop3A_312 = arith.index_cast %parallel_loop3A_278 : i32 to index
        %parallel_loop3A_313 = arith.constant 64 : index
        %parallel_loop3A_314 = tpu.vector_load %arg10[%parallel_loop3A_311, %parallel_loop3A_312, %parallel_loop3A_313] {strides = array<i32>} : memref<2x64x128xf32, #tpu.memory_space<vmem>>, vector<1x1x16xf32>,
        %parallel_loop3A_315 = vector.shape_cast %parallel_loop3A_314 : vector<1x1x16xf32> to vector<16xf32>
        %parallel_loop3A_316 = vector.shape_cast %parallel_loop3A_310 : vector<16xf32> to vector<1x1x16xf32>
        tpu.vector_store %arg10[%parallel_loop3A_311, %parallel_loop3A_312, %parallel_loop3A_313], %parallel_loop3A_316 {strides = array<i32>} : memref<2x64x128xf32, #tpu.memory_space<vmem>>, vector<1x1x16xf32>,
        %parallel_loop3A_317 = arith.index_cast %select_n3A_194 : i32 to index
        %parallel_loop3A_318 = arith.index_cast %parallel_loop3A_278 : i32 to index
        %parallel_loop3A_319 = arith.constant 16 : index
        %parallel_loop3A_320 = tpu.vector_load %arg8[%parallel_loop3A_317, %parallel_loop3A_318, %parallel_loop3A_319] {strides = array<i32>} : memref<2x64x64xi32, #tpu.memory_space<vmem>>, vector<1x1x16xi32>,
        %parallel_loop3A_321 = vector.shape_cast %parallel_loop3A_320 : vector<1x1x16xi32> to vector<16xi32>
        %parallel_loop3A_322 = arith.index_cast %select_n3A_194 : i32 to index
        %parallel_loop3A_323 = arith.index_cast %parallel_loop3A_278 : i32 to index
        %parallel_loop3A_324 = arith.constant 16 : index
        %parallel_loop3A_325 = tpu.vector_load %arg9[%parallel_loop3A_322, %parallel_loop3A_323, %parallel_loop3A_324] {strides = array<i32>} : memref<2x64x64xi32, #tpu.memory_space<vmem>>, vector<1x1x16xi32>,
        %parallel_loop3A_326 = vector.shape_cast %parallel_loop3A_325 : vector<1x1x16xi32> to vector<16xi32>
        %parallel_loop3A_327 = arith.constant 16 : i32
        %parallel_loop3A_328 = vector.broadcast %parallel_loop3A_327 : i32 to vector<16xi32>
        %parallel_loop3A_329 = arith.shli %parallel_loop3A_321, %parallel_loop3A_328 : vector<16xi32>
        %parallel_loop3A_330 = tpu.bitcast %parallel_loop3A_329 : vector<16xi32> -> vector<16xf32>
        %parallel_loop3A_331 = vector.broadcast %scan3A_76 : i32 to vector<16xi32>
        %parallel_loop3A_332 = arith.andi %parallel_loop3A_321, %parallel_loop3A_331 : vector<16xi32>
        %parallel_loop3A_333 = tpu.bitcast %parallel_loop3A_332 : vector<16xi32> -> vector<16xf32>
        %parallel_loop3A_334 = arith.constant 16 : i32
        %parallel_loop3A_335 = vector.broadcast %parallel_loop3A_334 : i32 to vector<16xi32>
        %parallel_loop3A_336 = arith.shli %parallel_loop3A_326, %parallel_loop3A_335 : vector<16xi32>
        %parallel_loop3A_337 = tpu.bitcast %parallel_loop3A_336 : vector<16xi32> -> vector<16xf32>
        %parallel_loop3A_338 = vector.broadcast %scan3A_76 : i32 to vector<16xi32>
        %parallel_loop3A_339 = arith.andi %parallel_loop3A_326, %parallel_loop3A_338 : vector<16xi32>
        %parallel_loop3A_340 = tpu.bitcast %parallel_loop3A_339 : vector<16xi32> -> vector<16xf32>
        %parallel_loop3A_341 = arith.mulf %parallel_loop3A_337, %parallel_loop3A_330 : vector<16xf32>
        %parallel_loop3A_342 = arith.index_cast %select_n3A_194 : i32 to index
        %parallel_loop3A_343 = arith.index_cast %parallel_loop3A_278 : i32 to index
        %parallel_loop3A_344 = arith.constant 16 : index
        %parallel_loop3A_345 = tpu.vector_load %arg10[%parallel_loop3A_342, %parallel_loop3A_343, %parallel_loop3A_344] {strides = array<i32>} : memref<2x64x128xf32, #tpu.memory_space<vmem>>, vector<1x1x16xf32>,
        %parallel_loop3A_346 = vector.shape_cast %parallel_loop3A_345 : vector<1x1x16xf32> to vector<16xf32>
        %parallel_loop3A_347 = vector.shape_cast %parallel_loop3A_341 : vector<16xf32> to vector<1x1x16xf32>
        tpu.vector_store %arg10[%parallel_loop3A_342, %parallel_loop3A_343, %parallel_loop3A_344], %parallel_loop3A_347 {strides = array<i32>} : memref<2x64x128xf32, #tpu.memory_space<vmem>>, vector<1x1x16xf32>,
        %parallel_loop3A_348 = arith.mulf %parallel_loop3A_340, %parallel_loop3A_333 : vector<16xf32>
        %parallel_loop3A_349 = arith.index_cast %select_n3A_194 : i32 to index
        %parallel_loop3A_350 = arith.index_cast %parallel_loop3A_278 : i32 to index
        %parallel_loop3A_351 = arith.constant 80 : index
        %parallel_loop3A_352 = tpu.vector_load %arg10[%parallel_loop3A_349, %parallel_loop3A_350, %parallel_loop3A_351] {strides = array<i32>} : memref<2x64x128xf32, #tpu.memory_space<vmem>>, vector<1x1x16xf32>,
        %parallel_loop3A_353 = vector.shape_cast %parallel_loop3A_352 : vector<1x1x16xf32> to vector<16xf32>
        %parallel_loop3A_354 = vector.shape_cast %parallel_loop3A_348 : vector<16xf32> to vector<1x1x16xf32>
        tpu.vector_store %arg10[%parallel_loop3A_349, %parallel_loop3A_350, %parallel_loop3A_351], %parallel_loop3A_354 {strides = array<i32>} : memref<2x64x128xf32, #tpu.memory_space<vmem>>, vector<1x1x16xf32>,
        %parallel_loop3A_355 = arith.index_cast %select_n3A_194 : i32 to index
        %parallel_loop3A_356 = arith.index_cast %parallel_loop3A_278 : i32 to index
        %parallel_loop3A_357 = arith.constant 32 : index
        %parallel_loop3A_358 = tpu.vector_load %arg8[%parallel_loop3A_355, %parallel_loop3A_356, %parallel_loop3A_357] {strides = array<i32>} : memref<2x64x64xi32, #tpu.memory_space<vmem>>, vector<1x1x16xi32>,
        %parallel_loop3A_359 = vector.shape_cast %parallel_loop3A_358 : vector<1x1x16xi32> to vector<16xi32>
        %parallel_loop3A_360 = arith.index_cast %select_n3A_194 : i32 to index
        %parallel_loop3A_361 = arith.index_cast %parallel_loop3A_278 : i32 to index
        %parallel_loop3A_362 = arith.constant 32 : index
        %parallel_loop3A_363 = tpu.vector_load %arg9[%parallel_loop3A_360, %parallel_loop3A_361, %parallel_loop3A_362] {strides = array<i32>} : memref<2x64x64xi32, #tpu.memory_space<vmem>>, vector<1x1x16xi32>,
        %parallel_loop3A_364 = vector.shape_cast %parallel_loop3A_363 : vector<1x1x16xi32> to vector<16xi32>
        %parallel_loop3A_365 = arith.constant 16 : i32
        %parallel_loop3A_366 = vector.broadcast %parallel_loop3A_365 : i32 to vector<16xi32>
        %parallel_loop3A_367 = arith.shli %parallel_loop3A_359, %parallel_loop3A_366 : vector<16xi32>
        %parallel_loop3A_368 = tpu.bitcast %parallel_loop3A_367 : vector<16xi32> -> vector<16xf32>
        %parallel_loop3A_369 = vector.broadcast %scan3A_76 : i32 to vector<16xi32>
        %parallel_loop3A_370 = arith.andi %parallel_loop3A_359, %parallel_loop3A_369 : vector<16xi32>
        %parallel_loop3A_371 = tpu.bitcast %parallel_loop3A_370 : vector<16xi32> -> vector<16xf32>
        %parallel_loop3A_372 = arith.constant 16 : i32
        %parallel_loop3A_373 = vector.broadcast %parallel_loop3A_372 : i32 to vector<16xi32>
        %parallel_loop3A_374 = arith.shli %parallel_loop3A_364, %parallel_loop3A_373 : vector<16xi32>
        %parallel_loop3A_375 = tpu.bitcast %parallel_loop3A_374 : vector<16xi32> -> vector<16xf32>
        %parallel_loop3A_376 = vector.broadcast %scan3A_76 : i32 to vector<16xi32>
        %parallel_loop3A_377 = arith.andi %parallel_loop3A_364, %parallel_loop3A_376 : vector<16xi32>
        %parallel_loop3A_378 = tpu.bitcast %parallel_loop3A_377 : vector<16xi32> -> vector<16xf32>
        %parallel_loop3A_379 = arith.mulf %parallel_loop3A_375, %parallel_loop3A_368 : vector<16xf32>
        %parallel_loop3A_380 = arith.index_cast %select_n3A_194 : i32 to index
        %parallel_loop3A_381 = arith.index_cast %parallel_loop3A_278 : i32 to index
        %parallel_loop3A_382 = arith.constant 32 : index
        %parallel_loop3A_383 = tpu.vector_load %arg10[%parallel_loop3A_380, %parallel_loop3A_381, %parallel_loop3A_382] {strides = array<i32>} : memref<2x64x128xf32, #tpu.memory_space<vmem>>, vector<1x1x16xf32>,
        %parallel_loop3A_384 = vector.shape_cast %parallel_loop3A_383 : vector<1x1x16xf32> to vector<16xf32>
        %parallel_loop3A_385 = vector.shape_cast %parallel_loop3A_379 : vector<16xf32> to vector<1x1x16xf32>
        tpu.vector_store %arg10[%parallel_loop3A_380, %parallel_loop3A_381, %parallel_loop3A_382], %parallel_loop3A_385 {strides = array<i32>} : memref<2x64x128xf32, #tpu.memory_space<vmem>>, vector<1x1x16xf32>,
        %parallel_loop3A_386 = arith.mulf %parallel_loop3A_378, %parallel_loop3A_371 : vector<16xf32>
        %parallel_loop3A_387 = arith.index_cast %select_n3A_194 : i32 to index
        %parallel_loop3A_388 = arith.index_cast %parallel_loop3A_278 : i32 to index
        %parallel_loop3A_389 = arith.constant 96 : index
        %parallel_loop3A_390 = tpu.vector_load %arg10[%parallel_loop3A_387, %parallel_loop3A_388, %parallel_loop3A_389] {strides = array<i32>} : memref<2x64x128xf32, #tpu.memory_space<vmem>>, vector<1x1x16xf32>,
        %parallel_loop3A_391 = vector.shape_cast %parallel_loop3A_390 : vector<1x1x16xf32> to vector<16xf32>
        %parallel_loop3A_392 = vector.shape_cast %parallel_loop3A_386 : vector<16xf32> to vector<1x1x16xf32>
        tpu.vector_store %arg10[%parallel_loop3A_387, %parallel_loop3A_388, %parallel_loop3A_389], %parallel_loop3A_392 {strides = array<i32>} : memref<2x64x128xf32, #tpu.memory_space<vmem>>, vector<1x1x16xf32>,
        %parallel_loop3A_393 = arith.index_cast %select_n3A_194 : i32 to index
        %parallel_loop3A_394 = arith.index_cast %parallel_loop3A_278 : i32 to index
        %parallel_loop3A_395 = arith.constant 48 : index
        %parallel_loop3A_396 = tpu.vector_load %arg8[%parallel_loop3A_393, %parallel_loop3A_394, %parallel_loop3A_395] {strides = array<i32>} : memref<2x64x64xi32, #tpu.memory_space<vmem>>, vector<1x1x16xi32>,
        %parallel_loop3A_397 = vector.shape_cast %parallel_loop3A_396 : vector<1x1x16xi32> to vector<16xi32>
        %parallel_loop3A_398 = arith.index_cast %select_n3A_194 : i32 to index
        %parallel_loop3A_399 = arith.index_cast %parallel_loop3A_278 : i32 to index
        %parallel_loop3A_400 = arith.constant 48 : index
        %parallel_loop3A_401 = tpu.vector_load %arg9[%parallel_loop3A_398, %parallel_loop3A_399, %parallel_loop3A_400] {strides = array<i32>} : memref<2x64x64xi32, #tpu.memory_space<vmem>>, vector<1x1x16xi32>,
        %parallel_loop3A_402 = vector.shape_cast %parallel_loop3A_401 : vector<1x1x16xi32> to vector<16xi32>
        %parallel_loop3A_403 = arith.constant 16 : i32
        %parallel_loop3A_404 = vector.broadcast %parallel_loop3A_403 : i32 to vector<16xi32>
        %parallel_loop3A_405 = arith.shli %parallel_loop3A_397, %parallel_loop3A_404 : vector<16xi32>
        %parallel_loop3A_406 = tpu.bitcast %parallel_loop3A_405 : vector<16xi32> -> vector<16xf32>
        %parallel_loop3A_407 = vector.broadcast %scan3A_76 : i32 to vector<16xi32>
        %parallel_loop3A_408 = arith.andi %parallel_loop3A_397, %parallel_loop3A_407 : vector<16xi32>
        %parallel_loop3A_409 = tpu.bitcast %parallel_loop3A_408 : vector<16xi32> -> vector<16xf32>
        %parallel_loop3A_410 = arith.constant 16 : i32
        %parallel_loop3A_411 = vector.broadcast %parallel_loop3A_410 : i32 to vector<16xi32>
        %parallel_loop3A_412 = arith.shli %parallel_loop3A_402, %parallel_loop3A_411 : vector<16xi32>
        %parallel_loop3A_413 = tpu.bitcast %parallel_loop3A_412 : vector<16xi32> -> vector<16xf32>
        %parallel_loop3A_414 = vector.broadcast %scan3A_76 : i32 to vector<16xi32>
        %parallel_loop3A_415 = arith.andi %parallel_loop3A_402, %parallel_loop3A_414 : vector<16xi32>
        %parallel_loop3A_416 = tpu.bitcast %parallel_loop3A_415 : vector<16xi32> -> vector<16xf32>
        %parallel_loop3A_417 = arith.mulf %parallel_loop3A_413, %parallel_loop3A_406 : vector<16xf32>
        %parallel_loop3A_418 = arith.index_cast %select_n3A_194 : i32 to index
        %parallel_loop3A_419 = arith.index_cast %parallel_loop3A_278 : i32 to index
        %parallel_loop3A_420 = arith.constant 48 : index
        %parallel_loop3A_421 = tpu.vector_load %arg10[%parallel_loop3A_418, %parallel_loop3A_419, %parallel_loop3A_420] {strides = array<i32>} : memref<2x64x128xf32, #tpu.memory_space<vmem>>, vector<1x1x16xf32>,
        %parallel_loop3A_422 = vector.shape_cast %parallel_loop3A_421 : vector<1x1x16xf32> to vector<16xf32>
        %parallel_loop3A_423 = vector.shape_cast %parallel_loop3A_417 : vector<16xf32> to vector<1x1x16xf32>
        tpu.vector_store %arg10[%parallel_loop3A_418, %parallel_loop3A_419, %parallel_loop3A_420], %parallel_loop3A_423 {strides = array<i32>} : memref<2x64x128xf32, #tpu.memory_space<vmem>>, vector<1x1x16xf32>,
        %parallel_loop3A_424 = arith.mulf %parallel_loop3A_416, %parallel_loop3A_409 : vector<16xf32>
        %parallel_loop3A_425 = arith.index_cast %select_n3A_194 : i32 to index
        %parallel_loop3A_426 = arith.index_cast %parallel_loop3A_278 : i32 to index
        %parallel_loop3A_427 = arith.constant 112 : index
        %parallel_loop3A_428 = tpu.vector_load %arg10[%parallel_loop3A_425, %parallel_loop3A_426, %parallel_loop3A_427] {strides = array<i32>} : memref<2x64x128xf32, #tpu.memory_space<vmem>>, vector<1x1x16xf32>,
        %parallel_loop3A_429 = vector.shape_cast %parallel_loop3A_428 : vector<1x1x16xf32> to vector<16xf32>
        %parallel_loop3A_430 = vector.shape_cast %parallel_loop3A_424 : vector<16xf32> to vector<1x1x16xf32>
        tpu.vector_store %arg10[%parallel_loop3A_425, %parallel_loop3A_426, %parallel_loop3A_427], %parallel_loop3A_430 {strides = array<i32>} : memref<2x64x128xf32, #tpu.memory_space<vmem>>, vector<1x1x16xf32>,
      } {sc.loop_unroll_factor = 2 : i64, sc.parallel_access}
      %jit3A_197 = arith.constant 2 : i32
      %eq3A_198 = arith.constant 0 : i32
      %eq3A_199 = arith.cmpi eq, %jit3A_197, %eq3A_198 : i32
      %jit3A_200 = arith.constant 1 : i32
      %select_n3A_201 = arith.select %eq3A_199, %jit3A_200, %jit3A_197 : i32
      %rem3A_202 = arith.remsi %scan3A_114, %select_n3A_201 : i32
      %ne3A_203 = arith.constant 0 : i32
      %ne3A_204 = arith.cmpi ne, %rem3A_202, %ne3A_203 : i32
      %lt3A_205 = arith.constant 0 : i32
      %lt3A_206 = arith.cmpi slt, %rem3A_202, %lt3A_205 : i32
      %lt3A_207 = arith.constant 0 : i32
      %lt3A_208 = arith.cmpi slt, %select_n3A_201, %lt3A_207 : i32
      %ne3A_209 = arith.xori %lt3A_206, %lt3A_208 : i1
      %and3A_210 = arith.andi %ne3A_209, %ne3A_204 : i1
      %add3A_211 = arith.addi %rem3A_202, %select_n3A_201 : i32
      %select_n3A_212 = arith.select %and3A_210, %add3A_211, %rem3A_202 : i32
      %jit3A_213 = arith.constant 8 : i32
      %div3A = arith.divsi %scan3A_114, %jit3A_213 : i32
      %sign3A = arith.constant 0 : i32
      %sign3A_214 = arith.cmpi sgt, %scan3A_114, %sign3A : i32
      %sign3A_215 = arith.extui %sign3A_214 : i1 to i32
      %sign3A_216 = arith.constant 0 : i32
      %sign3A_217 = arith.cmpi slt, %scan3A_114, %sign3A_216 : i32
      %sign3A_218 = arith.extui %sign3A_217 : i1 to i32
      %sign3A_219 = arith.subi %sign3A_215, %sign3A_218 : i32
      %sign3A_220 = arith.constant 0 : i32
      %sign3A_221 = arith.cmpi sgt, %jit3A_213, %sign3A_220 : i32
      %sign3A_222 = arith.extui %sign3A_221 : i1 to i32
      %sign3A_223 = arith.constant 0 : i32
      %sign3A_224 = arith.cmpi slt, %jit3A_213, %sign3A_223 : i32
      %sign3A_225 = arith.extui %sign3A_224 : i1 to i32
      %sign3A_226 = arith.subi %sign3A_222, %sign3A_225 : i32
      %ne3A_227 = arith.cmpi ne, %sign3A_219, %sign3A_226 : i32
      %rem3A_228 = arith.remsi %scan3A_114, %jit3A_213 : i32
      %ne3A_229 = arith.constant 0 : i32
      %ne3A_230 = arith.cmpi ne, %rem3A_228, %ne3A_229 : i32
      %and3A_231 = arith.andi %ne3A_227, %ne3A_230 : i1
      %sub3A = arith.constant 1 : i32
      %sub3A_232 = arith.subi %div3A, %sub3A : i32
      %select_n3A_233 = arith.select %and3A_231, %sub3A_232, %div3A : i32
      %jit3A_234 = arith.constant 2 : i32
      %eq3A_235 = arith.constant 0 : i32
      %eq3A_236 = arith.cmpi eq, %jit3A_234, %eq3A_235 : i32
      %jit3A_237 = arith.constant 1 : i32
      %select_n3A_238 = arith.select %eq3A_236, %jit3A_237, %jit3A_234 : i32
      %rem3A_239 = arith.remsi %select_n3A_233, %select_n3A_238 : i32
      %ne3A_240 = arith.constant 0 : i32
      %ne3A_241 = arith.cmpi ne, %rem3A_239, %ne3A_240 : i32
      %lt3A_242 = arith.constant 0 : i32
      %lt3A_243 = arith.cmpi slt, %rem3A_239, %lt3A_242 : i32
      %lt3A_244 = arith.constant 0 : i32
      %lt3A_245 = arith.cmpi slt, %select_n3A_238, %lt3A_244 : i32
      %ne3A_246 = arith.xori %lt3A_243, %lt3A_245 : i1
      %and3A_247 = arith.andi %ne3A_246, %ne3A_241 : i1
      %add3A_248 = arith.addi %rem3A_239, %select_n3A_238 : i32
      %select_n3A_249 = arith.select %and3A_247, %add3A_248, %rem3A_239 : i32
      %jit3A_250 = arith.constant 8 : i32
      %eq3A_251 = arith.constant 0 : i32
      %eq3A_252 = arith.cmpi eq, %jit3A_250, %eq3A_251 : i32
      %jit3A_253 = arith.constant 1 : i32
      %select_n3A_254 = arith.select %eq3A_252, %jit3A_253, %jit3A_250 : i32
      %rem3A_255 = arith.remsi %scan3A_114, %select_n3A_254 : i32
      %ne3A_256 = arith.constant 0 : i32
      %ne3A_257 = arith.cmpi ne, %rem3A_255, %ne3A_256 : i32
      %lt3A_258 = arith.constant 0 : i32
      %lt3A_259 = arith.cmpi slt, %rem3A_255, %lt3A_258 : i32
      %lt3A_260 = arith.constant 0 : i32
      %lt3A_261 = arith.cmpi slt, %select_n3A_254, %lt3A_260 : i32
      %ne3A_262 = arith.xori %lt3A_259, %lt3A_261 : i1
      %and3A_263 = arith.andi %ne3A_262, %ne3A_257 : i1
      %add3A_264 = arith.addi %rem3A_255, %select_n3A_254 : i32
      %select_n3A_265 = arith.select %and3A_263, %add3A_264, %rem3A_255 : i32
      %dma_start3A_266 = arith.constant 0 : i32
      %dma_start3A_267 = arith.constant 0 : i32
      %dma_start3A_268 = tpu.memref_slice %arg10[%select_n3A_212, %dma_start3A_266, %dma_start3A_267] : memref<2x64x128xf32, #tpu.memory_space<vmem>> -> memref<1x64x128xf32, #tpu.memory_space<vmem>>
      %dma_start3A_269 = tpu.memref_squeeze %dma_start3A_268 : memref<1x64x128xf32, #tpu.memory_space<vmem>> -> memref<64x128xf32, #tpu.memory_space<vmem>>
      %dma_start3A_270 = arith.constant 0 : i32
      %dma_start3A_271 = tpu.memref_slice %arg12[%select_n3A_249, %select_n3A_265, %dma_start3A_270] : memref<2x8x64xi32, #tpu.memory_space<vmem>> -> memref<1x1x64xi32, #tpu.memory_space<vmem>>
      %dma_start3A_272 = tpu.memref_squeeze %dma_start3A_271 : memref<1x1x64xi32, #tpu.memory_space<vmem>> -> memref<64xi32, #tpu.memory_space<vmem>>
      %dma_start3A_273 = arith.constant 0 : i32
      %dma_start3A_274 = arith.constant 0 : i32
      %dma_start3A_275 = tpu.memref_slice %arg7[%dma_start3A_273, %dma_start3A_274] : memref<10112x128xf32, #tpu.memory_space<vmem_shared>> -> memref<10112x128xf32, #tpu.memory_space<vmem_shared>>
      %dma_start3A_276 = tpu.memref_slice %arg15[%select_n3A_212] : memref<2x!tpu.dma_semaphore, #tpu.memory_space<semaphore_mem>> -> memref<1x!tpu.dma_semaphore, #tpu.memory_space<semaphore_mem>>
      %dma_start3A_277 = tpu.memref_squeeze %dma_start3A_276 : memref<1x!tpu.dma_semaphore, #tpu.memory_space<semaphore_mem>> -> memref<!tpu.dma_semaphore, #tpu.memory_space<semaphore_mem>>
      tpu.enqueue_indirect_dma source(%dma_start3A_269 : memref<64x128xf32, #tpu.memory_space<vmem>>) target(%dma_start3A_275 : memref<10112x128xf32, #tpu.memory_space<vmem_shared>>) offsets(%dma_start3A_272 : memref<64xi32, #tpu.memory_space<vmem>>) semaphore(%dma_start3A_277 : memref<!tpu.dma_semaphore, #tpu.memory_space<semaphore_mem>>) {add = true}
    }
    %scan3A_81 = arith.constant 160 : i32
    %dma_wait3A = arith.constant 0 : i32
    %dma_wait3A_82 = arith.constant 0 : i32
    %dma_wait3A_83 = arith.constant 0 : i32
    %dma_wait3A_84 = arith.constant 0 : i32
    %dma_wait3A_85 = arith.constant 0 : i32
    %dma_wait3A_86 = arith.constant 0 : i32
    %dma_wait3A_87 = tpu.memref_slice %arg10[%dma_wait3A, %dma_wait3A_85, %dma_wait3A_86] : memref<2x64x128xf32, #tpu.memory_space<vmem>> -> memref<1x64x128xf32, #tpu.memory_space<vmem>>
    %dma_wait3A_88 = tpu.memref_squeeze %dma_wait3A_87 : memref<1x64x128xf32, #tpu.memory_space<vmem>> -> memref<64x128xf32, #tpu.memory_space<vmem>>
    %dma_wait3A_89 = arith.constant 0 : i32
    %dma_wait3A_90 = tpu.memref_slice %arg12[%dma_wait3A_82, %dma_wait3A_83, %dma_wait3A_89] : memref<2x8x64xi32, #tpu.memory_space<vmem>> -> memref<1x1x64xi32, #tpu.memory_space<vmem>>
    %dma_wait3A_91 = tpu.memref_squeeze %dma_wait3A_90 : memref<1x1x64xi32, #tpu.memory_space<vmem>> -> memref<64xi32, #tpu.memory_space<vmem>>
    %dma_wait3A_92 = arith.constant 0 : i32
    %dma_wait3A_93 = arith.constant 0 : i32
    %dma_wait3A_94 = tpu.memref_slice %arg7[%dma_wait3A_92, %dma_wait3A_93] : memref<10112x128xf32, #tpu.memory_space<vmem_shared>> -> memref<10112x128xf32, #tpu.memory_space<vmem_shared>>
    %dma_wait3A_95 = tpu.memref_slice %arg15[%dma_wait3A_84] : memref<2x!tpu.dma_semaphore, #tpu.memory_space<semaphore_mem>> -> memref<1x!tpu.dma_semaphore, #tpu.memory_space<semaphore_mem>>
    %dma_wait3A_96 = tpu.memref_squeeze %dma_wait3A_95 : memref<1x!tpu.dma_semaphore, #tpu.memory_space<semaphore_mem>> -> memref<!tpu.dma_semaphore, #tpu.memory_space<semaphore_mem>>
    tpu.wait_indirect_dma semaphore(%dma_wait3A_96 : memref<!tpu.dma_semaphore, #tpu.memory_space<semaphore_mem>>) src(%dma_wait3A_88 : memref<64x128xf32, #tpu.memory_space<vmem>>) dst(%dma_wait3A_94 : memref<10112x128xf32, #tpu.memory_space<vmem_shared>>)
    %dma_wait3A_97 = arith.constant 1 : i32
    %dma_wait3A_98 = arith.constant 0 : i32
    %dma_wait3A_99 = arith.constant 0 : i32
    %dma_wait3A_100 = arith.constant 1 : i32
    %dma_wait3A_101 = arith.constant 0 : i32
    %dma_wait3A_102 = arith.constant 0 : i32
    %dma_wait3A_103 = tpu.memref_slice %arg10[%dma_wait3A_97, %dma_wait3A_101, %dma_wait3A_102] : memref<2x64x128xf32, #tpu.memory_space<vmem>> -> memref<1x64x128xf32, #tpu.memory_space<vmem>>
    %dma_wait3A_104 = tpu.memref_squeeze %dma_wait3A_103 : memref<1x64x128xf32, #tpu.memory_space<vmem>> -> memref<64x128xf32, #tpu.memory_space<vmem>>
    %dma_wait3A_105 = arith.constant 0 : i32
    %dma_wait3A_106 = tpu.memref_slice %arg12[%dma_wait3A_98, %dma_wait3A_99, %dma_wait3A_105] : memref<2x8x64xi32, #tpu.memory_space<vmem>> -> memref<1x1x64xi32, #tpu.memory_space<vmem>>
    %dma_wait3A_107 = tpu.memref_squeeze %dma_wait3A_106 : memref<1x1x64xi32, #tpu.memory_space<vmem>> -> memref<64xi32, #tpu.memory_space<vmem>>
    %dma_wait3A_108 = arith.constant 0 : i32
    %dma_wait3A_109 = arith.constant 0 : i32
    %dma_wait3A_110 = tpu.memref_slice %arg7[%dma_wait3A_108, %dma_wait3A_109] : memref<10112x128xf32, #tpu.memory_space<vmem_shared>> -> memref<10112x128xf32, #tpu.memory_space<vmem_shared>>
    %dma_wait3A_111 = tpu.memref_slice %arg15[%dma_wait3A_100] : memref<2x!tpu.dma_semaphore, #tpu.memory_space<semaphore_mem>> -> memref<1x!tpu.dma_semaphore, #tpu.memory_space<semaphore_mem>>
    %dma_wait3A_112 = tpu.memref_squeeze %dma_wait3A_111 : memref<1x!tpu.dma_semaphore, #tpu.memory_space<semaphore_mem>> -> memref<!tpu.dma_semaphore, #tpu.memory_space<semaphore_mem>>
    tpu.wait_indirect_dma semaphore(%dma_wait3A_112 : memref<!tpu.dma_semaphore, #tpu.memory_space<semaphore_mem>>) src(%dma_wait3A_104 : memref<64x128xf32, #tpu.memory_space<vmem>>) dst(%dma_wait3A_110 : memref<10112x128xf32, #tpu.memory_space<vmem_shared>>)
    %barrier3A_113 = arith.constant 0 : index
    tpu.barrier barrier_id(%barrier3A_113)
    "tpu.region"() ({
      %run_scoped3A_114 = tpu.sem_alloc : memref<!tpu.dma_semaphore, #tpu.memory_space<semaphore_mem>>
      %dma_start3A_115 = arith.constant 0 : i32
      %dma_start3A_116 = tpu.memref_slice %arg6[%arg0, %mul3A_7, %dma_start3A_115] : memref<2x10112x128xf32, #tpu.memory_space<hbm>> -> memref<1x632x128xf32, #tpu.memory_space<hbm>>
      %dma_start3A_117 = tpu.memref_squeeze %dma_start3A_116 : memref<1x632x128xf32, #tpu.memory_space<hbm>> -> memref<632x128xf32, #tpu.memory_space<hbm>>
      %dma_start3A_118 = arith.constant 0 : i32
      %dma_start3A_119 = tpu.memref_slice %arg7[%mul3A_7, %dma_start3A_118] : memref<10112x128xf32, #tpu.memory_space<vmem_shared>> -> memref<632x128xf32, #tpu.memory_space<vmem_shared>>
      tpu.enqueue_dma source(%dma_start3A_119 : memref<632x128xf32, #tpu.memory_space<vmem_shared>>) target(%dma_start3A_117 : memref<632x128xf32, #tpu.memory_space<hbm>>) target_semaphore(%run_scoped3A_114 : memref<!tpu.dma_semaphore, #tpu.memory_space<semaphore_mem>>)
      %dma_wait3A_120 = arith.constant 0 : i32
      %dma_wait3A_121 = tpu.memref_slice %arg6[%arg0, %mul3A_7, %dma_wait3A_120] : memref<2x10112x128xf32, #tpu.memory_space<hbm>> -> memref<1x632x128xf32, #tpu.memory_space<hbm>>
      %dma_wait3A_122 = tpu.memref_squeeze %dma_wait3A_121 : memref<1x632x128xf32, #tpu.memory_space<hbm>> -> memref<632x128xf32, #tpu.memory_space<hbm>>
      %dma_wait3A_123 = arith.constant 0 : i32
      %dma_wait3A_124 = tpu.memref_slice %arg7[%mul3A_7, %dma_wait3A_123] : memref<10112x128xf32, #tpu.memory_space<vmem_shared>> -> memref<632x128xf32, #tpu.memory_space<vmem_shared>>
      tpu.wait_dma2 semaphore(%run_scoped3A_114 : memref<!tpu.dma_semaphore, #tpu.memory_space<semaphore_mem>>) src(%dma_wait3A_124 : memref<632x128xf32, #tpu.memory_space<vmem_shared>>) dst(%dma_wait3A_122 : memref<632x128xf32, #tpu.memory_space<hbm>>)
      tpu.yield
    }) : () -> ()
    return
  }
}

module attributes {stable_mosaic.version = 14 : i64} {
  func.func @_node_feat_body(%arg0: i32, %arg1: memref<1000x128xf32, #tpu.memory_space<vmem>>, %arg2: memref<1000x1xf32, #tpu.memory_space<vmem>>, %arg3: memref<1000x1xf32, #tpu.memory_space<vmem>>, %arg4: memref<128x128xf32, #tpu.memory_space<vmem>>, %arg5: memref<1000x64xi32, #tpu.memory_space<vmem>>) attributes {dimension_semantics = [#tpu.dimension_semantics<arbitrary>], iteration_bounds = array<i64: 10>, scalar_prefetch = 0 : i64, scratch_operands = 0 : i64, tpu.core_type = #tpu.core_type<tc>, window_params = [{transform_indices = @transform_0, window_bounds = array<i64: 1000, 128>}, {transform_indices = @transform_1, window_bounds = array<i64: 1000, 1>}, {transform_indices = @transform_2, window_bounds = array<i64: 1000, 1>}, {pipeline_mode = #tpu.pipeline_mode<synchronous>, transform_indices = @transform_3, window_bounds = array<i64: 128, 128>}, {transform_indices = @transform_4, window_bounds = array<i64: 1000, 64>}]} {
    %get3A = arith.constant 0 : index
    %get3A_0 = arith.constant 0 : index
    %get3A_1 = vector.load %arg1[%get3A, %get3A_0] : memref<1000x128xf32, #tpu.memory_space<vmem>>, vector<1000x128xf32>
    %get3A_2 = arith.constant 0 : index
    %get3A_3 = arith.constant 0 : index
    %get3A_4 = vector.load %arg2[%get3A_2, %get3A_3] : memref<1000x1xf32, #tpu.memory_space<vmem>>, vector<1000x1xf32>
    %get3A_5 = arith.constant 0 : index
    %get3A_6 = arith.constant 0 : index
    %get3A_7 = vector.load %arg3[%get3A_5, %get3A_6] : memref<1000x1xf32, #tpu.memory_space<vmem>>, vector<1000x1xf32>
    %rsqrt3A = math.rsqrt %get3A_7 : vector<1000x1xf32>
    %mul3A = arith.mulf %get3A_4, %rsqrt3A : vector<1000x1xf32>
    %mul3A_8 = arith.constant 0.0883883461 : f32
    %mul3A_9 = vector.broadcast %mul3A_8 : f32 to vector<1000x1xf32>
    %mul3A_10 = arith.mulf %mul3A, %mul3A_9 : vector<1000x1xf32>
    %get3A_11 = arith.constant 0 : index
    %get3A_12 = arith.constant 0 : index
    %get3A_13 = vector.load %arg4[%get3A_11, %get3A_12] : memref<128x128xf32, #tpu.memory_space<vmem>>, vector<128x128xf32>
    %dot_general3A = arith.constant dense<0.000000e+00> : vector<1000x128xf32>
    %dot_general3A_14 = tpu.matmul %get3A_1, %get3A_13, %dot_general3A {dimension_numbers = #tpu.dot_dimension_numbers<[1], [0], [0], [1], [0, 0, 1, 1], [], []>, transpose_lhs_hint = false} : vector<1000x128xf32>, vector<128x128xf32>, vector<1000x128xf32> -> vector<1000x128xf32>
    %mul3A_15 = vector.broadcast %mul3A_10 : vector<1000x1xf32> to vector<1000x128xf32>
    %mul3A_16 = arith.mulf %dot_general3A_14, %mul3A_15 : vector<1000x128xf32>
    %slice3A = vector.extract_strided_slice %mul3A_16 {offsets = [0, 0], sizes = [1000, 64], strides = [1, 1]} : vector<1000x128xf32> to vector<1000x64xf32>
    %convert_element_type3A = arith.truncf %slice3A : vector<1000x64xf32> to vector<1000x64xbf16>
    %bitcast_convert_type3A = tpu.bitcast %convert_element_type3A : vector<1000x64xbf16> -> vector<1000x64xi16>
    %convert_element_type3A_17 = arith.extui %bitcast_convert_type3A : vector<1000x64xi16> to vector<1000x64xi32>
    %slice3A_18 = vector.extract_strided_slice %mul3A_16 {offsets = [0, 64], sizes = [1000, 64], strides = [1, 1]} : vector<1000x128xf32> to vector<1000x64xf32>
    %convert_element_type3A_19 = arith.truncf %slice3A_18 : vector<1000x64xf32> to vector<1000x64xbf16>
    %bitcast_convert_type3A_20 = tpu.bitcast %convert_element_type3A_19 : vector<1000x64xbf16> -> vector<1000x64xi16>
    %convert_element_type3A_21 = arith.extui %bitcast_convert_type3A_20 : vector<1000x64xi16> to vector<1000x64xi32>
    %shift_left3A = arith.constant 16 : i32
    %shift_left3A_22 = vector.broadcast %shift_left3A : i32 to vector<1000x64xi32>
    %shift_left3A_23 = arith.shli %convert_element_type3A_21, %shift_left3A_22 : vector<1000x64xi32>
    %or3A = arith.ori %convert_element_type3A_17, %shift_left3A_23 : vector<1000x64xi32>
    %bitcast_convert_type3A_24 = tpu.bitcast %or3A : vector<1000x64xi32> -> vector<1000x64xi32>
    %swap3A = arith.constant 0 : index
    %swap3A_25 = arith.constant 0 : index
    %swap3A_26 = vector.load %arg5[%swap3A, %swap3A_25] : memref<1000x64xi32, #tpu.memory_space<vmem>>, vector<1000x64xi32>
    tpu.vector_store %arg5[%swap3A, %swap3A_25], %bitcast_convert_type3A_24 {strides = array<i32>} : memref<1000x64xi32, #tpu.memory_space<vmem>>, vector<1000x64xi32>,
    return
  }
  func.func @transform_0(%arg0: i32) -> (i32, i32) {
    %c0_i32 = arith.constant 0 : i32
    %c0_i32_0 = arith.constant 0 : i32
    return %arg0, %c0_i32 : i32, i32
  }
  func.func @transform_1(%arg0: i32) -> (i32, i32) {
    %c0_i32 = arith.constant 0 : i32
    %c0_i32_0 = arith.constant 0 : i32
    return %arg0, %c0_i32 : i32, i32
  }
  func.func @transform_2(%arg0: i32) -> (i32, i32) {
    %c0_i32 = arith.constant 0 : i32
    %c0_i32_0 = arith.constant 0 : i32
    return %arg0, %c0_i32 : i32, i32
  }
  func.func @transform_3(%arg0: i32) -> (i32, i32) {
    %c0_i32 = arith.constant 0 : i32
    %c0_i32_0 = arith.constant 0 : i32
    %c0_i32_1 = arith.constant 0 : i32
    return %c0_i32, %c0_i32_0 : i32, i32
  }
  func.func @transform_4(%arg0: i32) -> (i32, i32) {
    %c0_i32 = arith.constant 0 : i32
    %c0_i32_0 = arith.constant 0 : i32
    return %arg0, %c0_i32 : i32, i32
  }
}

module attributes {stable_mosaic.version = 14 : i64} {
  func.func @_edge_mlp_body(%arg0: i32, %arg1: memref<8192x10xf32, #tpu.memory_space<vmem>>, %arg2: memref<8192x1xf32, #tpu.memory_space<vmem>>, %arg3: memref<10x100xf32, #tpu.memory_space<vmem>>, %arg4: memref<100x128xf32, #tpu.memory_space<vmem>>, %arg5: memref<8192x64xi32, #tpu.memory_space<vmem>>) attributes {dimension_semantics = [#tpu.dimension_semantics<arbitrary>], iteration_bounds = array<i64: 40>, scalar_prefetch = 0 : i64, scratch_operands = 0 : i64, tpu.core_type = #tpu.core_type<tc>, window_params = [{transform_indices = @transform_0, window_bounds = array<i64: 8192, 10>}, {transform_indices = @transform_1, window_bounds = array<i64: 8192, 1>}, {pipeline_mode = #tpu.pipeline_mode<synchronous>, transform_indices = @transform_2, window_bounds = array<i64: 10, 100>}, {pipeline_mode = #tpu.pipeline_mode<synchronous>, transform_indices = @transform_3, window_bounds = array<i64: 100, 128>}, {transform_indices = @transform_4, window_bounds = array<i64: 8192, 64>}]} {
    %get3A = arith.constant 0 : index
    %get3A_0 = arith.constant 0 : index
    %get3A_1 = vector.load %arg1[%get3A, %get3A_0] : memref<8192x10xf32, #tpu.memory_space<vmem>>, vector<8192x10xf32>
    %get3A_2 = arith.constant 0 : index
    %get3A_3 = arith.constant 0 : index
    %get3A_4 = vector.load %arg3[%get3A_2, %get3A_3] : memref<10x100xf32, #tpu.memory_space<vmem>>, vector<10x100xf32>
    %dot_general3A = arith.constant dense<0.000000e+00> : vector<8192x100xf32>
    %dot_general3A_5 = tpu.matmul %get3A_1, %get3A_4, %dot_general3A {dimension_numbers = #tpu.dot_dimension_numbers<[1], [0], [0], [1], [0, 0, 1, 1], [], []>, transpose_lhs_hint = false} : vector<8192x10xf32>, vector<10x100xf32>, vector<8192x100xf32> -> vector<8192x100xf32>
    %mul3A = arith.constant 0.316227764 : f32
    %mul3A_6 = vector.broadcast %mul3A : f32 to vector<8192x100xf32>
    %mul3A_7 = arith.mulf %dot_general3A_5, %mul3A_6 : vector<8192x100xf32>
    %logistic3A = arith.negf %mul3A_7 : vector<8192x100xf32>
    %logistic3A_8 = math.exp %logistic3A : vector<8192x100xf32>
    %logistic3A_9 = arith.constant 1.000000e+00 : f32
    %logistic3A_10 = vector.broadcast %logistic3A_9 : f32 to vector<8192x100xf32>
    %logistic3A_11 = arith.addf %logistic3A_10, %logistic3A_8 : vector<8192x100xf32>
    %logistic3A_12 = arith.divf %logistic3A_10, %logistic3A_11 : vector<8192x100xf32>
    %mul3A_13 = arith.mulf %mul3A_7, %logistic3A_12 : vector<8192x100xf32>
    %get3A_14 = arith.constant 0 : index
    %get3A_15 = arith.constant 0 : index
    %get3A_16 = vector.load %arg4[%get3A_14, %get3A_15] : memref<100x128xf32, #tpu.memory_space<vmem>>, vector<100x128xf32>
    %dot_general3A_17 = arith.constant dense<0.000000e+00> : vector<8192x128xf32>
    %dot_general3A_18 = tpu.matmul %mul3A_13, %get3A_16, %dot_general3A_17 {dimension_numbers = #tpu.dot_dimension_numbers<[1], [0], [0], [1], [0, 0, 1, 1], [], []>, transpose_lhs_hint = false} : vector<8192x100xf32>, vector<100x128xf32>, vector<8192x128xf32> -> vector<8192x128xf32>
    %get3A_19 = arith.constant 0 : index
    %get3A_20 = arith.constant 0 : index
    %get3A_21 = vector.load %arg2[%get3A_19, %get3A_20] : memref<8192x1xf32, #tpu.memory_space<vmem>>, vector<8192x1xf32>
    %mul3A_22 = arith.constant 1.000000e-01 : f32
    %mul3A_23 = vector.broadcast %mul3A_22 : f32 to vector<8192x1xf32>
    %mul3A_24 = arith.mulf %get3A_21, %mul3A_23 : vector<8192x1xf32>
    %mul3A_25 = vector.broadcast %mul3A_24 : vector<8192x1xf32> to vector<8192x128xf32>
    %mul3A_26 = arith.mulf %dot_general3A_18, %mul3A_25 : vector<8192x128xf32>
    %slice3A = vector.extract_strided_slice %mul3A_26 {offsets = [0, 0], sizes = [8192, 64], strides = [1, 1]} : vector<8192x128xf32> to vector<8192x64xf32>
    %convert_element_type3A = arith.truncf %slice3A : vector<8192x64xf32> to vector<8192x64xbf16>
    %bitcast_convert_type3A = tpu.bitcast %convert_element_type3A : vector<8192x64xbf16> -> vector<8192x64xi16>
    %convert_element_type3A_27 = arith.extui %bitcast_convert_type3A : vector<8192x64xi16> to vector<8192x64xi32>
    %slice3A_28 = vector.extract_strided_slice %mul3A_26 {offsets = [0, 64], sizes = [8192, 64], strides = [1, 1]} : vector<8192x128xf32> to vector<8192x64xf32>
    %convert_element_type3A_29 = arith.truncf %slice3A_28 : vector<8192x64xf32> to vector<8192x64xbf16>
    %bitcast_convert_type3A_30 = tpu.bitcast %convert_element_type3A_29 : vector<8192x64xbf16> -> vector<8192x64xi16>
    %convert_element_type3A_31 = arith.extui %bitcast_convert_type3A_30 : vector<8192x64xi16> to vector<8192x64xi32>
    %shift_left3A = arith.constant 16 : i32
    %shift_left3A_32 = vector.broadcast %shift_left3A : i32 to vector<8192x64xi32>
    %shift_left3A_33 = arith.shli %convert_element_type3A_31, %shift_left3A_32 : vector<8192x64xi32>
    %or3A = arith.ori %convert_element_type3A_27, %shift_left3A_33 : vector<8192x64xi32>
    %bitcast_convert_type3A_34 = tpu.bitcast %or3A : vector<8192x64xi32> -> vector<8192x64xi32>
    %swap3A = arith.constant 0 : index
    %swap3A_35 = arith.constant 0 : index
    %swap3A_36 = vector.load %arg5[%swap3A, %swap3A_35] : memref<8192x64xi32, #tpu.memory_space<vmem>>, vector<8192x64xi32>
    tpu.vector_store %arg5[%swap3A, %swap3A_35], %bitcast_convert_type3A_34 {strides = array<i32>} : memref<8192x64xi32, #tpu.memory_space<vmem>>, vector<8192x64xi32>,
    return
  }
  func.func @transform_0(%arg0: i32) -> (i32, i32) {
    %c0_i32 = arith.constant 0 : i32
    %c0_i32_0 = arith.constant 0 : i32
    return %arg0, %c0_i32 : i32, i32
  }
  func.func @transform_1(%arg0: i32) -> (i32, i32) {
    %c0_i32 = arith.constant 0 : i32
    %c0_i32_0 = arith.constant 0 : i32
    return %arg0, %c0_i32 : i32, i32
  }
  func.func @transform_2(%arg0: i32) -> (i32, i32) {
    %c0_i32 = arith.constant 0 : i32
    %c0_i32_0 = arith.constant 0 : i32
    %c0_i32_1 = arith.constant 0 : i32
    return %c0_i32, %c0_i32_0 : i32, i32
  }
  func.func @transform_3(%arg0: i32) -> (i32, i32) {
    %c0_i32 = arith.constant 0 : i32
    %c0_i32_0 = arith.constant 0 : i32
    %c0_i32_1 = arith.constant 0 : i32
    return %c0_i32, %c0_i32_0 : i32, i32
  }
  func.func @transform_4(%arg0: i32) -> (i32, i32) {
    %c0_i32 = arith.constant 0 : i32
    %c0_i32_0 = arith.constant 0 : i32
    return %arg0, %c0_i32 : i32, i32
  }
}

module attributes {stable_mosaic.version = 14 : i64} {
  func.func @_final_body(%arg0: i32, %arg1: memref<1000x128xf32, #tpu.memory_space<vmem>>, %arg2: memref<1000x1xf32, #tpu.memory_space<vmem>>, %arg3: memref<1000x1xf32, #tpu.memory_space<vmem>>, %arg4: memref<2x1000x128xf32, #tpu.memory_space<vmem>>, %arg5: memref<128x128xf32, #tpu.memory_space<vmem>>, %arg6: memref<128x128xf32, #tpu.memory_space<vmem>>, %arg7: memref<1000x128xf32, #tpu.memory_space<vmem>>) attributes {dimension_semantics = [#tpu.dimension_semantics<arbitrary>], iteration_bounds = array<i64: 10>, scalar_prefetch = 0 : i64, scratch_operands = 0 : i64, tpu.core_type = #tpu.core_type<tc>, window_params = [{transform_indices = @transform_0, window_bounds = array<i64: 1000, 128>}, {transform_indices = @transform_1, window_bounds = array<i64: 1000, 1>}, {transform_indices = @transform_2, window_bounds = array<i64: 1000, 1>}, {transform_indices = @transform_3, window_bounds = array<i64: 2, 1000, 128>}, {pipeline_mode = #tpu.pipeline_mode<synchronous>, transform_indices = @transform_4, window_bounds = array<i64: 128, 128>}, {pipeline_mode = #tpu.pipeline_mode<synchronous>, transform_indices = @transform_5, window_bounds = array<i64: 128, 128>}, {transform_indices = @transform_6, window_bounds = array<i64: 1000, 128>}]} {
    %get3A = arith.constant 0 : index
    %get3A_0 = arith.constant 0 : index
    %get3A_1 = vector.load %arg2[%get3A, %get3A_0] : memref<1000x1xf32, #tpu.memory_space<vmem>>, vector<1000x1xf32>
    %mul3A = arith.constant 0.0883883461 : f32
    %mul3A_2 = vector.broadcast %mul3A : f32 to vector<1000x1xf32>
    %mul3A_3 = arith.mulf %get3A_1, %mul3A_2 : vector<1000x1xf32>
    %get3A_4 = arith.constant 0 : index
    %get3A_5 = arith.constant 0 : index
    %get3A_6 = vector.load %arg1[%get3A_4, %get3A_5] : memref<1000x128xf32, #tpu.memory_space<vmem>>, vector<1000x128xf32>
    %get3A_7 = arith.constant 0 : index
    %get3A_8 = arith.constant 0 : index
    %get3A_9 = vector.load %arg5[%get3A_7, %get3A_8] : memref<128x128xf32, #tpu.memory_space<vmem>>, vector<128x128xf32>
    %dot_general3A = arith.constant dense<0.000000e+00> : vector<1000x128xf32>
    %dot_general3A_10 = tpu.matmul %get3A_6, %get3A_9, %dot_general3A {dimension_numbers = #tpu.dot_dimension_numbers<[1], [0], [0], [1], [0, 0, 1, 1], [], []>, transpose_lhs_hint = false} : vector<1000x128xf32>, vector<128x128xf32>, vector<1000x128xf32> -> vector<1000x128xf32>
    %mul3A_11 = vector.broadcast %mul3A_3 : vector<1000x1xf32> to vector<1000x128xf32>
    %mul3A_12 = arith.mulf %dot_general3A_10, %mul3A_11 : vector<1000x128xf32>
    %get3A_13 = arith.constant 0 : index
    %get3A_14 = arith.constant 0 : index
    %get3A_15 = arith.constant 0 : index
    %get3A_16 = vector.load %arg4[%get3A_13, %get3A_14, %get3A_15] : memref<2x1000x128xf32, #tpu.memory_space<vmem>>, vector<1x1000x128xf32>
    %get3A_17 = vector.shape_cast %get3A_16 : vector<1x1000x128xf32> to vector<1000x128xf32>
    %get3A_18 = arith.constant 1 : index
    %get3A_19 = arith.constant 0 : index
    %get3A_20 = arith.constant 0 : index
    %get3A_21 = vector.load %arg4[%get3A_18, %get3A_19, %get3A_20] : memref<2x1000x128xf32, #tpu.memory_space<vmem>>, vector<1x1000x128xf32>
    %get3A_22 = vector.shape_cast %get3A_21 : vector<1x1000x128xf32> to vector<1000x128xf32>
    %add3A = arith.addf %get3A_17, %get3A_22 : vector<1000x128xf32>
    %get3A_23 = arith.constant 0 : index
    %get3A_24 = arith.constant 0 : index
    %get3A_25 = vector.load %arg3[%get3A_23, %get3A_24] : memref<1000x1xf32, #tpu.memory_space<vmem>>, vector<1000x1xf32>
    %rsqrt3A = math.rsqrt %get3A_25 : vector<1000x1xf32>
    %mul3A_26 = vector.broadcast %rsqrt3A : vector<1000x1xf32> to vector<1000x128xf32>
    %mul3A_27 = arith.mulf %add3A, %mul3A_26 : vector<1000x128xf32>
    %get3A_28 = arith.constant 0 : index
    %get3A_29 = arith.constant 0 : index
    %get3A_30 = vector.load %arg6[%get3A_28, %get3A_29] : memref<128x128xf32, #tpu.memory_space<vmem>>, vector<128x128xf32>
    %dot_general3A_31 = arith.constant dense<0.000000e+00> : vector<1000x128xf32>
    %dot_general3A_32 = tpu.matmul %mul3A_27, %get3A_30, %dot_general3A_31 {dimension_numbers = #tpu.dot_dimension_numbers<[1], [0], [0], [1], [0, 0, 1, 1], [], []>, transpose_lhs_hint = false} : vector<1000x128xf32>, vector<128x128xf32>, vector<1000x128xf32> -> vector<1000x128xf32>
    %mul3A_33 = vector.broadcast %mul3A_3 : vector<1000x1xf32> to vector<1000x128xf32>
    %mul3A_34 = arith.mulf %dot_general3A_32, %mul3A_33 : vector<1000x128xf32>
    %mul3A_35 = arith.constant 0.382683426 : f32
    %mul3A_36 = vector.broadcast %mul3A_35 : f32 to vector<1000x128xf32>
    %mul3A_37 = arith.mulf %mul3A_36, %mul3A_12 : vector<1000x128xf32>
    %mul3A_38 = arith.constant 0.923879504 : f32
    %mul3A_39 = vector.broadcast %mul3A_38 : f32 to vector<1000x128xf32>
    %mul3A_40 = arith.mulf %mul3A_39, %mul3A_34 : vector<1000x128xf32>
    %add3A_41 = arith.addf %mul3A_37, %mul3A_40 : vector<1000x128xf32>
    %swap3A = arith.constant 0 : index
    %swap3A_42 = arith.constant 0 : index
    %swap3A_43 = vector.load %arg7[%swap3A, %swap3A_42] : memref<1000x128xf32, #tpu.memory_space<vmem>>, vector<1000x128xf32>
    tpu.vector_store %arg7[%swap3A, %swap3A_42], %add3A_41 {strides = array<i32>} : memref<1000x128xf32, #tpu.memory_space<vmem>>, vector<1000x128xf32>,
    return
  }
  func.func @transform_0(%arg0: i32) -> (i32, i32) {
    %c0_i32 = arith.constant 0 : i32
    %c0_i32_0 = arith.constant 0 : i32
    return %arg0, %c0_i32 : i32, i32
  }
  func.func @transform_1(%arg0: i32) -> (i32, i32) {
    %c0_i32 = arith.constant 0 : i32
    %c0_i32_0 = arith.constant 0 : i32
    return %arg0, %c0_i32 : i32, i32
  }
  func.func @transform_2(%arg0: i32) -> (i32, i32) {
    %c0_i32 = arith.constant 0 : i32
    %c0_i32_0 = arith.constant 0 : i32
    return %arg0, %c0_i32 : i32, i32
  }
  func.func @transform_3(%arg0: i32) -> (i32, i32, i32) {
    %c0_i32 = arith.constant 0 : i32
    %c0_i32_0 = arith.constant 0 : i32
    %c0_i32_1 = arith.constant 0 : i32
    return %c0_i32, %arg0, %c0_i32_0 : i32, i32, i32
  }
  func.func @transform_4(%arg0: i32) -> (i32, i32) {
    %c0_i32 = arith.constant 0 : i32
    %c0_i32_0 = arith.constant 0 : i32
    %c0_i32_1 = arith.constant 0 : i32
    return %c0_i32, %c0_i32_0 : i32, i32
  }
  func.func @transform_5(%arg0: i32) -> (i32, i32) {
    %c0_i32 = arith.constant 0 : i32
    %c0_i32_0 = arith.constant 0 : i32
    %c0_i32_1 = arith.constant 0 : i32
    return %c0_i32, %c0_i32_0 : i32, i32
  }
  func.func @transform_6(%arg0: i32) -> (i32, i32) {
    %c0_i32 = arith.constant 0 : i32
    %c0_i32_0 = arith.constant 0 : i32
    return %arg0, %c0_i32 : i32, i32
  }
}

</mosaic_0001>

<sc_bundles>
// kernel: kernel.6.cloned.1.call-start
scs
__scs_entry_jumppad:
0x0: {  	(pc) =	sbr.rel $0x88, $3  }
0x1: {  	(tag) =	ssettag $0x0;
	lr =	simm.s32 $0x1  }
0x2: {  	[smem:$0x3F95] =	sst lr;
	_ =	strace $0xD0000000  }
0x3: {  	_ = 	snop  }
0x4: {  	_ = 	snop  }
0x5: {  	_ = 	snop  }
0x6: {  	_ = 	snop  }
0x7: {  	_ = 	snop  }
__scs_overlays_trampoline_lowered:
0x8: {  	[smem:$0x3FA4] =	sst s0  }
0x9: {  	[smem:$0x3FA5] =	sst s1  }
0xa: {  	[smem:$0x3FA6] =	sst s2  }
0xb: {  	[smem:$0x3FA7] =	sst s3  }
0xc: {  	[smem:$0x3FA8] =	sst s4  }
0xd: {  	[smem:$0x3FA9] =	sst s5  }
0xe: {  	[smem:$0x3FAA] =	sst s6  }
0xf: {  	[smem:$0x3FAB] =	sst s7  }
0x10: {  	[smem:$0x3FAC] =	sst s8  }
0x11: {  	[smem:$0x3FAD] =	sst s9;
	s0 =	simm.s32 @!p0 $0x0  }
0x12: {  	s1 =	sld [smem:$0x3F93];
	s0 =	simm.s32 @p0 $0x1  }
0x13: {  	[smem:$0x3FAE] =	sst s0;
	s0 =	simm.s32 @!p1 $0x0  }
0x14: {  	s2 =	sld [smem:$0x3F92];
	s0 =	simm.s32 @p1 $0x1  }
0x15: {  	[smem:$0x3FAF] =	sst s0;
	s0 =	simm.s32 @!p2 $0x0  }
0x16: {  	s3 =	sld [smem:$0x3FDB];
	s0 =	simm.s32 @p2 $0x1  }
0x17: {  	s4 =	simm.s32 $0x1BF5;
	[smem:$0x3FB1] =	sst s0  }
0x18: {  	s0 =	sld [smem:$0x3F94];
	_ =	swait.ge [sflag:s4], $0x0  }
0x19: {  	s7 =	sld [smem:$0x3F95]  }
0x1a: {  	s8 =	sadd.s32 $0xFFFFE003, lr  }
0x1b: {  	s9 =	sadd.s32 $0xFFFFFEF7, lr;
	s5 =	simm.s32 $0xFFFFFFFF;
	p2 =	slt.u32 s8, $0xFFFFF086  }
0x1c: {  	p1 =	slt.u32 s9, $0xF7A;
	s5 =	simm.s32 @!p2 $0x0  }
0x1d: {  	s5 =	simm.s32 @p1 $0x1;
	p0 =	seq.s32 s7, s2  }
0x1e: {  	s7 =	smul.u32 @!p0 $0xF7A, s2;
	p2 =	seq.s32 @!p0 s5, $0x0  }
0x1f: {  	s9 =	smul.u32 $0xF7A, s1;
	s8 =	simm.s32 @!p0 $0x1BF5;
	p2 =	por !p2, p0  }
0x20: {  	[sflag:s8] =	ssyncset.s32 @!p0 $0xFFFFF086;
	s6 =	sadd.s32 @!p0 s3, s7;
	s7 =	simm.s32 @!p0 $0x108  }
0x21: {  	s3 =	sadd.s32 s3, s9;
	s6 =	sadd.s32 @!p0 $0x88, s6;
	s7 =	simm.s32 @p2 $0x1082  }
0x22: {  	[simem:s7], [sflag:s8] =	dma.local @!p0 [hbm:s6], $0xF7A  }
0x23: {  	s9 =	sor.u32 $0xD0000000, s2;
	s6 =	simm.s32 $0x108;
	_ =	swait.ge @!p0 [sflag:s8], $0x0  }
0x24: {  	s3 =	sadd.s32 $0x88, s3;
	s6 =	simm.s32 @!p1 $0x1082;
	[sflag:s4] =	ssyncset.s32 $0xFFFFF086  }
0x25: {  	[simem:s6], [sflag:s4] =	dma.local [hbm:s3], $0xF7A  }
0x26: {  	[smem:$0x3F95] =	sst s1;
	(tag) =	ssettag s2;
	_ =	strace s9  }
0x27: {  	s1 =	sld [smem:$0x3FA5]  }
0x28: {  	s2 =	sld [smem:$0x3FA6]  }
0x29: {  	s4 =	sld [smem:$0x3FA8]  }
0x2a: {  	p0 =	seq.s32 s5, $0x0;
	s5 =	sld [smem:$0x3FA9]  }
0x2b: {  	s6 =	sld [smem:$0x3FAA]  }
0x2c: {  	s7 =	sld [smem:$0x3FAB]  }
0x2d: {  	s3 =	simm.s32 $0x108;
	s8 =	sld [smem:$0x3FAC]  }
0x2e: {  	s3 =	simm.s32 @!p0 $0x1082;
	s9 =	sld [smem:$0x3FAD]  }
0x2f: {  	lr =	sadd.s32 s0, s3;
	s0 =	sld [smem:$0x3FA4]  }
0x30: {  	s3 =	sld [smem:$0x3FA7]  }
0x31: {  	[smem:$0x3FB0] =	sst s10  }
0x32: {  	s10 =	sld [smem:$0x3FAE];
	_ =	sdelay $0x3  }
0x33: {  	p0 =	seq.s32 s10, $0x1;
	s10 =	sld [smem:$0x3FB0];
	_ =	sdelay $0x3  }
0x34: {  	[smem:$0x3FB0] =	sst s10  }
0x35: {  	s10 =	sld [smem:$0x3FAF];
	_ =	sdelay $0x3  }
0x36: {  	p1 =	seq.s32 s10, $0x1;
	s10 =	sld [smem:$0x3FB0];
	_ =	sdelay $0x3  }
0x37: {  	[smem:$0x3FB0] =	sst s10  }
0x38: {  	s10 =	sld [smem:$0x3FB1]  }
0x39: {  	_ = 	snop;
	(pc) =	sbr.ind lr, $3  }
0x3a: {  	_ = 	snop  }
0x3b: {  	_ = 	snop  }
0x3c: {  	p2 =	seq.s32 s10, $0x1;
	s10 =	sld [smem:$0x3FB0]  }
0x3d: {  	_ =	shalt  }
0x3e: {  	_ =	shalt  }
0x3f: {  	_ =	shalt  }
0x40: {  	_ =	shalt  }
0x41: {  	_ =	shalt  }
0x42: {  	_ =	shalt  }
0x43: {  	_ =	shalt  }
0x44: {  	_ =	shalt  }
0x45: {  	_ =	shalt  }
0x46: {  	_ =	shalt  }
0x47: {  	_ =	shalt  }
0x48: {  	_ =	shalt  }
0x49: {  	_ =	shalt  }
0x4a: {  	_ =	shalt  }
0x4b: {  	_ =	shalt  }
0x4c: {  	_ =	shalt  }
0x4d: {  	_ =	shalt  }
0x4e: {  	_ =	shalt  }
0x4f: {  	_ =	shalt  }
0x50: {  	_ =	shalt  }
0x51: {  	_ =	shalt  }
0x52: {  	_ =	shalt  }
0x53: {  	_ =	shalt  }
0x54: {  	_ =	shalt  }
0x55: {  	_ =	shalt  }
0x56: {  	_ =	shalt  }
0x57: {  	_ =	shalt  }
0x58: {  	_ =	shalt  }
0x59: {  	_ =	shalt  }
0x5a: {  	_ =	shalt  }
0x5b: {  	_ =	shalt  }
0x5c: {  	_ =	shalt  }
0x5d: {  	_ =	shalt  }
0x5e: {  	_ =	shalt  }
0x5f: {  	_ =	shalt  }
0x60: {  	_ =	shalt  }
0x61: {  	_ =	shalt  }
0x62: {  	_ =	shalt  }
0x63: {  	_ =	shalt  }
0x64: {  	_ =	shalt  }
0x65: {  	_ =	shalt  }
0x66: {  	_ =	shalt  }
0x67: {  	_ =	shalt  }
0x68: {  	_ =	shalt  }
0x69: {  	_ =	shalt  }
0x6a: {  	_ =	shalt  }
0x6b: {  	_ =	shalt  }
0x6c: {  	_ =	shalt  }
0x6d: {  	_ =	shalt  }
0x6e: {  	_ =	shalt  }
0x6f: {  	_ =	shalt  }
0x70: {  	_ =	shalt  }
0x71: {  	_ =	shalt  }
0x72: {  	_ =	shalt  }
0x73: {  	_ =	shalt  }
0x74: {  	_ =	shalt  }
0x75: {  	_ =	shalt  }
0x76: {  	_ =	shalt  }
0x77: {  	_ =	shalt  }
0x78: {  	_ =	shalt  }
0x79: {  	_ =	shalt  }
0x7a: {  	_ =	shalt  }
0x7b: {  	_ =	shalt  }
0x7c: {  	_ =	shalt  }
0x7d: {  	_ =	shalt  }
0x7e: {  	_ =	shalt  }
0x7f: {  	_ =	shalt  }
0x80: {  	_ =	shalt  }
0x81: {  	_ =	shalt  }
0x82: {  	_ =	shalt  }
0x83: {  	_ =	shalt  }
0x84: {  	_ =	shalt  }
0x85: {  	_ =	shalt  }
0x86: {  	_ =	shalt  }
0x87: {  	_ =	shalt  }
.Lfunc_end0:
.L_simem_size_0:
called_computation_lowered:
.L_overlay_start_0:
0x88: {  	s2 =	sld [smem:$0x3FD9]  }
0x89: {  	s3 =	sld [smem:$0x3FFE];
	_ =	sdelay $0x1  }
0x8a: {  	s1 =	srdreg.scid  }
0x8b: {  	s0 =	sand.u32 $0x1, s1  }
0x8c: {  	s16 =	sshll.u32 s0, $0xA;
	s2 =	sadd.s32 s3, s2  }
0x8d: {  	s2 =	sadd.s32 s2, s16  }
0x8e: {  	[smem:$0x3FBC] =	sst s2  }
0x8f: {  	_ = 	snop  }
0x90: {  	(tm) =	ssettm $0x1  }
0x91: {  	s17 =	sld [smem:$0x3FFB];
	_ =	sdelay $0x3  }
0x92: {  	_ =	strace s17  }
0x93: {  	s2 =	sld [smem:$0x3FFC];
	_ =	sdelay $0x3  }
0x94: {  	_ =	strace s2  }
0x95: {  	s2 =	sld [smem:$0x3FFD];
	_ =	sdelay $0x3  }
0x96: {  	_ =	strace s2  }
0x97: {  	_ =	strace $0x8FFFFFFF  }
0x98: {  	s18 =	sld [smem:$0x3FDB];
	_ =	sdelay $0x1  }
0x99: {  	s19 =	simm.s32 $_scs_section_size  }
0x9a: {  	s4 =	simm.s32 $_size__tile_overlayer_lowered;
	s5 =	simm.s32 $_tile_overlayer_lowered  }
0x9b: {  	s22 =	simm.s32 $0x1BFF;
	s21 =	sshll.u32 s5, $0x1;
	s2 =	sadd.s32 s19, s18  }
0x9c: {  	s6 =	simm.s32 $0x0;
	s20 =	sshll.u32 s4, $0x1;
	s4 =	sadd.s32 s21, s2  }
0x9d: {  	[timem:s6], [sflag:s22] =	dma.local [hbm:s4], s20  }
0x9e: {  	_ =	swait.ge [sflag:s22], s20  }
0x9f: {  	s3 =	ssub.s32 $0x0, s20;
	[sflag:s22] =	ssyncset.done $0x0  }
0xa0: {  	[sflag:s22] =	ssyncadd.s32 s3;
	_ =	sdelay $0x1  }
0xa1: {  	s23 =	simm.s32 $0x1B8B  }
0xa2: {  	_ =	swait.ge [sflag:s23], $0x1  }
0xa3: {  	[sflag:s23] =	ssyncset.done $0x0  }
0xa4: {  	s25 =	simm.s32 $0x1B8E;
	s24 =	sld [smem:$0x3FFE];
	[sflag:s23] =	ssyncadd.s32 $0xFFFFFFFF  }
0xa5: {  	s26 =	simm.s32 $execute0_lowered;
	[smem:$0x3FD2] =	sst s25  }
0xa6: {  	s4 =	sshll.u32 s26, $0x1;
	_ =	strace $0x80000046;
	[dreg:$0x1] =	wrdreg $0xFFFFFFFF  }
0xa7: {  	s28 =	simm.s32 $_size_execute0_lowered;
	s2 =	sadd.s32 s2, s4;
	[dreg:$0x0] =	wrdreg $0x0  }
0xa8: {  	s4 =	sshll.u32 s28, $0x1;
	[dreg:$0x2] =	wrdreg s2  }
0xa9: {  	[dreg:$0x3] =	wrdreg s4  }
0xaa: {  	[dreg:$0x4] =	wrdreg $0xC0  }
0xab: {  	_ =	task [dreg:s6], $0x5FFFF  }
0xac: {  	[dreg:$0x1] =	wrdreg $0xFFFFFFFF  }
0xad: {  	[dreg:$0x0] =	wrdreg $0x60  }
0xae: {  	[dreg:$0x2] =	wrdreg s24  }
0xaf: {  	[dreg:$0x3] =	wrdreg $0x0  }
0xb0: {  	[dreg:$0x4] =	wrdreg $0x9  }
0xb1: {  	_ =	task.clear_ibuf [dreg:s6], $0x5FFFF;
	_ =	strace $0x90000046  }
0xb2: {  	s29 =	simm.s32 $0x9;
	_ =	strace $0x80000048  }
0xb3: {  	_ =	swait.ge [sflag:s29], $0x1  }
0xb4: {  	[sflag:s29] =	ssyncadd.s32 $0xFFFFFFFF  }
0xb5: {  	_ =	strace $0x90000048  }
0xb6: {  	_ =	sfence  }
0xb7: {  	s30 =	sld [smem:$0x0];
	_ =	sdelay $0x2  }
0xb8: {  	s31 =	sshll.u32 s1, $0xD;
	s1 =	sshrl.u32 s1, $0x2  }
0xb9: {  	s3 =	sand.u32 $0x4000, s31;
	s1 =	sadd.s32 s1, s30  }
0xba: {  	s0 =	sor.u32 s3, s0;
	s1 =	sshll.u32 s1, $0x11  }
0xbb: {  	s0 =	sor.u32 s1, s0  }
0xbc: {  	s0 =	sadd.s32 $0x8F2B, s0  }
0xbd: {  	[sflag:s0] =	ssyncadd.remote.s32 $0x1  }
0xbe: {  	_ =	sfence.sel $0xFFFF  }
0xbf: {  	[dreg:$0x0] =	wrdreg $0xFFFFFFFF;
	(pc) =	sbr.abs _section_cstart, $3  }
0xc0: {  	[dreg:$0x1] =	wrdreg $0xFFFFFFFF  }
0xc1: {  	_ =	task.clear_ibuf [dreg:s6], $0x2FFFF;
	_ =	strace $0x9FFFFFFF  }
0xc2: {  	(tm) =	ssettm $0x7FFFFFFF  }
0xc3: {  	_ =	shalt  }
tec
execute0_lowered:
.L_overlay_start_1:
0x0: {  	(tag) =	ssettag $0x1  }
0x1: {  	s0 =	rddreg [dreg:$0x0]  }
0x2: {  	s2 =	rddreg [dreg:$0x1]  }
0x3: {  	s1 =	srdreg.scid;
	s12 =	stileid.u32;
	s3 =	simm.s32 $0x0  }
0x4: {  	s1 =	sand.u32 $0x1, s1;
	s8 =	smul.u32 $0x13C00, s12;
	[smem:$0x7FF] =	sst s3  }
0x5: {  	s4 =	sadd.s32 $0x2AC00, s0;
	s5 =	sadd.s32 $0x53E600, s0;
	s7 =	smul.u32 $0x13C000, s1  }
0x6: {  	s6 =	sadd.s32 $0x48600, s0;
	s10 =	ssub.s32 $0x2, s1;
	s1 =	sshll.u32 s1, $0x4  }
0x7: {  	s11 =	smul.u32 $0x4F000, s12;
	s1 =	sor.u32 s12, s1;
	s7 =	sadd.s32 s8, s7  }
0x8: {  	s14 =	sshrl.u32 s10, $0x1;
	s23 =	smul.u32 $0x14000, s1;
	s9 =	sshrl.u32 s7, $0x3  }
0x9: {  	s15 =	sshrl.u32 s11, $0x2;
	s7 =	sadd.s32 $0x3E600, s0;
	s0 =	sadd.s32 s9, s0  }
0xa: {  	s9 =	ssub.s32 s10, s14;
	s10 =	sadd.s32 s15, s2;
	s28 =	sadd.s32 s5, s23  }
0xb: {  	_ =	strace $0x80000047;
	s16 =	sadd.s32 $0x2000, s10;
	[dreg:$0xe] =	wrdreg s28  }
0xc: {  	s17 =	sadd.s32 $0x4000, s10;
	[dreg:$0x3] =	wrdreg s16  }
0xd: {  	s18 =	sadd.s32 $0x6000, s10;
	[dreg:$0x4] =	wrdreg s17  }
0xe: {  	s19 =	sadd.s32 $0x8000, s10;
	[dreg:$0x5] =	wrdreg s18  }
0xf: {  	s20 =	sadd.s32 $0xA000, s10;
	[dreg:$0x6] =	wrdreg s19  }
0x10: {  	s21 =	sadd.s32 $0xC000, s10;
	[dreg:$0x7] =	wrdreg s20  }
0x11: {  	s22 =	sadd.s32 $0xE000, s10;
	[dreg:$0x8] =	wrdreg s21  }
0x12: {  	s31 =	simm.s32 $0x40;
	s24 =	sadd.s32 $0x10000, s10;
	[dreg:$0x9] =	wrdreg s22  }
0x13: {  	s14 =	smul.u32 $0x2800, s1;
	s10 =	sadd.s32 $0x12000, s10;
	[dreg:$0xa] =	wrdreg s24  }
0x14: {  	s30 =	simm.s32 $0x6;
	s0 =	sadd.s32 $0x52600, s0;
	[dreg:$0xb] =	wrdreg s10  }
0x15: {  	s29 =	smax.u32 s9, $0x1;
	s25 =	sshrl.u32 s14, $0x3;
	[dreg:$0xf] =	wrdreg s0  }
0x16: {  	s8 =	sadd.s32 s8, s2;
	[dreg:$0x10] =	wrdreg s29;
	s26 =	sadd.s32 s6, s25  }
0x17: {  	s22 =	smul.u32 $0xA0000, s1;
	s10 =	sadd.s32 s7, s25;
	[dreg:$0xc] =	wrdreg s26  }
0x18: {  	v0 =	vimm.f32 $0.0e+00;
	s25 =	simm.s32 $0x17C00;
	[dreg:$0xd] =	wrdreg s10;
	s26 =	simm.s32 $0x7  }
.LBB2_1:
0x19: {  	s0 =	simm.s32 $0x0;
	s1 =	simm.s32 $0x200  }
.LBB2_2:
0x1a: {  	p0 =	sne.s32 s1, $0x7E00;
	[tilespmem:s0+$0x17C70] =	vst v0  }
0x1b: {  	[tilespmem:s0+$0x17C00] =	vst v0  }
0x1c: {  	[tilespmem:s0+$0x17C10] =	vst v0  }
.Ltmp0:
0x1d: {  	[tilespmem:s0+$0x17C20] =	vst v0;
	(pc) =	sbr.rel @p0 .LBB2_2-.Ltmp0, $4  }
0x1e: {  	[tilespmem:s0+$0x17C30] =	vst v0  }
0x1f: {  	[tilespmem:s0+$0x17C40] =	vst v0  }
0x20: {  	[tilespmem:s0+$0x17C50] =	vst v0  }
0x21: {  	[tilespmem:s0+$0x17C60] =	vst v0;
	s0 =	sshra.s32 s1, $0x2;
	s1 =	sadd.s32 $0x200, s1  }
0x22: {  	[tilespmem:s0+$0x17C70] =	vst v0  }
0x23: {  	[tilespmem:s0+$0x17C00] =	vst v0  }
0x24: {  	[tilespmem:s0+$0x17C10] =	vst v0  }
0x25: {  	[tilespmem:s0+$0x17C20] =	vst v0  }
0x26: {  	[tilespmem:s0+$0x17C30] =	vst v0  }
0x27: {  	[tilespmem:s0+$0x17C40] =	vst v0  }
0x28: {  	[tilespmem:s0+$0x17C50] =	vst v0  }
0x29: {  	[tilespmem:s0+$0x17C60] =	vst v0  }
0x2a: {  	[spmem:s8] =	stream.linear.scatter [tilespmem:s25], [sflag:$0x7], $0x2000, $0x38;
	[tilespmem:$0x1C400] =	vst v63  }
0x2b: {  	_ =	swait.ge [sflag:s26], $0x2000  }
0x2c: {  	[sflag:s26] =	ssyncset.done $0x0  }
0x2d: {  	s12 =	rddreg [dreg:$0x3];
	[sflag:s26] =	ssyncadd.s32 $0xFFFFE000  }
0x2e: {  	[spmem:s12] =	stream.linear.scatter [tilespmem:s25], [sflag:$0x7], $0x2000, $0x38;
	[tilespmem:$0x1C400] =	vst v63  }
0x2f: {  	_ =	swait.ge [sflag:s26], $0x2000  }
0x30: {  	[sflag:s26] =	ssyncset.done $0x0  }
0x31: {  	s13 =	rddreg [dreg:$0x4];
	[sflag:s26] =	ssyncadd.s32 $0xFFFFE000  }
0x32: {  	[spmem:s13] =	stream.linear.scatter [tilespmem:s25], [sflag:$0x7], $0x2000, $0x38;
	[tilespmem:$0x1C400] =	vst v63  }
0x33: {  	_ =	swait.ge [sflag:s26], $0x2000  }
0x34: {  	[sflag:s26] =	ssyncset.done $0x0  }
0x35: {  	s15 =	rddreg [dreg:$0x5];
	[sflag:s26] =	ssyncadd.s32 $0xFFFFE000  }
0x36: {  	[spmem:s15] =	stream.linear.scatter [tilespmem:s25], [sflag:$0x7], $0x2000, $0x38;
	[tilespmem:$0x1C400] =	vst v63  }
0x37: {  	_ =	swait.ge [sflag:s26], $0x2000  }
0x38: {  	[sflag:s26] =	ssyncset.done $0x0  }
0x39: {  	s16 =	rddreg [dreg:$0x6];
	[sflag:s26] =	ssyncadd.s32 $0xFFFFE000  }
0x3a: {  	[spmem:s16] =	stream.linear.scatter [tilespmem:s25], [sflag:$0x7], $0x2000, $0x38;
	[tilespmem:$0x1C400] =	vst v63  }
0x3b: {  	_ =	swait.ge [sflag:s26], $0x2000  }
0x3c: {  	[sflag:s26] =	ssyncset.done $0x0  }
0x3d: {  	s17 =	rddreg [dreg:$0x7];
	[sflag:s26] =	ssyncadd.s32 $0xFFFFE000  }
0x3e: {  	[spmem:s17] =	stream.linear.scatter [tilespmem:s25], [sflag:$0x7], $0x2000, $0x38;
	[tilespmem:$0x1C400] =	vst v63  }
0x3f: {  	_ =	swait.ge [sflag:s26], $0x2000  }
0x40: {  	[sflag:s26] =	ssyncset.done $0x0  }
0x41: {  	s18 =	rddreg [dreg:$0x8];
	[sflag:s26] =	ssyncadd.s32 $0xFFFFE000  }
0x42: {  	[spmem:s18] =	stream.linear.scatter [tilespmem:s25], [sflag:$0x7], $0x2000, $0x38;
	[tilespmem:$0x1C400] =	vst v63  }
0x43: {  	_ =	swait.ge [sflag:s26], $0x2000  }
0x44: {  	[sflag:s26] =	ssyncset.done $0x0  }
0x45: {  	s19 =	rddreg [dreg:$0x9];
	[sflag:s26] =	ssyncadd.s32 $0xFFFFE000  }
0x46: {  	[spmem:s19] =	stream.linear.scatter [tilespmem:s25], [sflag:$0x7], $0x2000, $0x38;
	[tilespmem:$0x1C400] =	vst v63  }
0x47: {  	_ =	swait.ge [sflag:s26], $0x2000  }
0x48: {  	[sflag:s26] =	ssyncset.done $0x0  }
0x49: {  	s20 =	rddreg [dreg:$0xa];
	[sflag:s26] =	ssyncadd.s32 $0xFFFFE000  }
0x4a: {  	[spmem:s20] =	stream.linear.scatter [tilespmem:s25], [sflag:$0x7], $0x2000, $0x38;
	[tilespmem:$0x1C400] =	vst v63  }
0x4b: {  	_ =	swait.ge [sflag:s26], $0x2000  }
0x4c: {  	[sflag:s26] =	ssyncset.done $0x0  }
0x4d: {  	s21 =	rddreg [dreg:$0xb];
	[sflag:s26] =	ssyncadd.s32 $0xFFFFE000  }
0x4e: {  	[spmem:s21] =	stream.linear.scatter [tilespmem:s25], [sflag:$0x7], $0x1C00, $0x38;
	[tilespmem:$0x1C400] =	vst v63  }
0x4f: {  	_ =	swait.ge [sflag:s26], $0x1C00  }
0x50: {  	[sflag:s26] =	ssyncset.done $0x0  }
0x51: {  	[sflag:s26] =	ssyncadd.s32 $0xFFFFE400  }
0x52: {  	[bflag:$0x0] =	sbarrier.arrive $0xFFFF  }
0x53: {  	s0 =	simm.s32 $0x0;
	s9 =	simm.s32 $0x1BC00;
	s1 =	rddreg [dreg:$0xc]  }
0x54: {  	[tilespmem:s9], [sflag:$0x7] =	stream.linear.gather [hbm4b:s1+s0], $0x200, $0x38;
	[tilespmem:$0x1C400] =	vst v63  }
0x55: {  	_ =	swait.ge [sflag:s26], $0x200  }
0x56: {  	[sflag:s26] =	ssyncset.done $0x0  }
0x57: {  	s10 =	simm.s32 $0x1C000;
	s23 =	rddreg [dreg:$0xd];
	[sflag:s26] =	ssyncadd.s32 $0xFFFFFE00  }
0x58: {  	[tilespmem:s10], [sflag:$0x7] =	stream.linear.gather [hbm4b:s23+s0], $0x200, $0x38;
	[tilespmem:$0x1C400] =	vst v63  }
0x59: {  	_ =	swait.ge [sflag:s26], $0x200  }
0x5a: {  	[sflag:s26] =	ssyncset.done $0x0  }
0x5b: {  	s28 =	simm.s32 $0x13C00;
	s24 =	rddreg [dreg:$0xe];
	[sflag:s26] =	ssyncadd.s32 $0xFFFFFE00  }
0x5c: {  	[tilespmem:s28], [sflag:$0x1] =	stream.linear.gather [hbm4b:s24+s0], $0x1000, $0x38;
	[tilespmem:$0x1C400] =	vst v63  }
0x5d: {  	s29 =	simm.s32 $0x15C00;
	p0 =	por $0x0, $0x0  }
0x5e: {  	[tilespmem:s29], [sflag:$0x3] =	stream.indirect.gather [hbm4b:s4+s31], $0x40, s9, s31, $0xb8;
	[tilespmem:$0x1C400] =	vst v63  }
.LBB2_4:
0x5f: {  	s1 =	sadd.s32 $0x1, s0;
	p1 =	seq.s32 s0, $0x9F  }
0x60: {  	s9 =	sand.u32 @!p1 $0x7, s1  }
0x61: {  	p3 =	seq.s32 @!p1 s9, $0x0  }
0x62: {  	s9 =	sshll.u32 @!p1 s1, $0x6;
	p2 =	por !p3, p1  }
0x63: {  	s10 =	sadd.s32 @!p2 s14, s9  }
0x64: {  	s11 =	sand.u32 @!p2 $0x200, s9;
	s10 =	sshrl.u32 @!p2 s10, $0x3  }
0x65: {  	s15 =	simm.s32 @!p2 $0x0;
	s12 =	sor.u32 @!p2 $0x1BC00, s11;
	s13 =	sadd.s32 @!p2 s6, s10  }
0x66: {  	[tilespmem:s12], [sflag:$0x7] =	stream.linear.gather @!p2 [hbm4b:s13+s15], $0x200, $0x38;
	[tilespmem:$0x1C400] =	vst v63  }
0x67: {  	s12 =	simm.s32 @!p2 $0x7  }
0x68: {  	_ =	swait.ge @!p2 [sflag:s12], $0x200  }
0x69: {  	[sflag:s12] =	ssyncset.done @!p2 $0x0  }
0x6a: {  	s10 =	sadd.s32 @!p2 s7, s10;
	s13 =	sor.u32 @!p2 $0x1C000, s11;
	[sflag:s12] =	ssyncadd.s32 @!p2 $0xFFFFFE00  }
0x6b: {  	[tilespmem:s13], [sflag:$0x7] =	stream.linear.gather @!p2 [hbm4b:s10+s15], $0x200, $0x38;
	[tilespmem:$0x1C400] =	vst v63  }
0x6c: {  	s18 =	simm.s32 @!p1 $0x0;
	p3 =	por p3, p1;
	s10 =	sshll.u32 @!p1 s1, $0xC  }
0x6d: {  	s15 =	sand.u32 @!p3 $0x200, s9;
	s9 =	sand.u32 @!p1 $0x1C0, s9;
	_ =	swait.ge @!p2 [sflag:s12], $0x200  }
0x6e: {  	s10 =	sadd.s32 @!p1 s22, s10;
	s11 =	smov.u32 @p2 s15;
	[sflag:s12] =	ssyncset.done @!p2 $0x0  }
0x6f: {  	s10 =	sshrl.u32 @!p1 s10, $0x3;
	[sflag:s12] =	ssyncadd.s32 @!p2 $0xFFFFFE00;
	s12 =	sand.u32 @!p1 $0x1, s1  }
0x70: {  	s9 =	sadd.s32 @!p1 s9, s11;
	s10 =	sadd.s32 @!p1 s5, s10;
	s13 =	sshll.u32 @!p1 s12, $0xC  }
0x71: {  	s9 =	sadd.s32 @!p1 $0x1BC00, s9;
	s17 =	sadd.s32 @!p1 $0x1, s12;
	s16 =	sadd.s32 @!p1 $0x13C00, s13  }
0x72: {  	[tilespmem:s16], [sflag:s17] =	stream.linear.gather @!p1 [hbm4b:s10+s18], $0x1000, $0x38;
	[tilespmem:$0x1C400] =	vst v63  }
0x73: {  	s11 =	sadd.s32 @!p1 $0x3, s12;
	s12 =	simm.s32 @!p1 $0x40;
	s10 =	sadd.s32 @!p1 $0x15C00, s13  }
0x74: {  	[tilespmem:s10], [sflag:s11] =	stream.indirect.gather @!p1 [hbm4b:s4+s12], $0x40, s9, s12, $0xb8;
	[tilespmem:$0x1C400] =	vst v63  }
0x75: {  	s9 =	sand.u32 $0x1, s0  }
0x76: {  	s18 =	sadd.s32 $0x1, s9  }
0x77: {  	_ =	swait.ge [sflag:s18], $0x1000  }
0x78: {  	[sflag:s18] =	ssyncset.done $0x0  }
0x79: {  	s19 =	sadd.s32 $0x3, s9;
	[sflag:s18] =	ssyncadd.s32 $0xFFFFF000  }
0x7a: {  	_ =	swait.ge [sflag:s19], $0x1000  }
0x7b: {  	p1 =	slt.u32 s0, $0x2;
	[sflag:s19] =	ssyncset.done $0x0  }
0x7c: {  	s11 =	simm.s32 $0x1;
	s10 =	sadd.s32 @!p1 $0x5, s9;
	[sflag:s19] =	ssyncadd.s32 $0xFFFFF000  }
0x7d: {  	s11 =	simm.s32 @!p0 $0x0;
	_ =	swait.ge @!p1 [sflag:s10], $0x2000  }
0x7e: {  	s20 =	sshll.u32 s11, $0xC;
	[sflag:s10] =	ssyncset.done @!p1 $0x0  }
0x7f: {  	s19 =	sadd.s32 $0x13C40, s20;
	[sflag:s10] =	ssyncadd.s32 @!p1 $0xFFFFE000  }
0x80: {  	s21 =	sadd.s32 $0x15C40, s20;
	v1 =	vld [tilespmem:s19+$0x0]  }
0x81: {  	v2 =	vld [tilespmem:s21+$0x0];
	_ =	sdelay $0x4  }
0x82: {  	v3 =	vshll.u32 v1, $0x10;
	v4 =	vshll.u32 v2, $0x10  }
0x83: {  	s23 =	sshll.u32 s11, $0xD;
	v1 =	vand.u32 $0xFFFF0000, v1;
	v2 =	vand.u32 $0xFFFF0000, v2;
	v3 =	vmul.f32 v4, v3  }
0x84: {  	s11 =	sadd.s32 $0x17C80, s23;
	v1 =	vmul.f32 v2, v1  }
0x85: {  	[tilespmem:s11+$0x0] =	vst v3  }
0x86: {  	[tilespmem:s11+$0x40] =	vst v1  }
0x87: {  	v1 =	vld [tilespmem:s19+$0x10]  }
0x88: {  	v2 =	vld [tilespmem:s21+$0x10];
	_ =	sdelay $0x1  }
0x89: {  	s20 =	sadd.s32 $0x80, s21  }
0x8a: {  	s23 =	sadd.s32 $0x80, s19;
	v4 =	vld [tilespmem:s20+$0x0]  }
0x8b: {  	v3 =	vld [tilespmem:s23+$0x0]  }
0x8c: {  	v5 =	vld [tilespmem:s21+$0xFFFFFFC0];
	v6 =	vshll.u32 v1, $0x10;
	v7 =	vshll.u32 v2, $0x10  }
0x8d: {  	v8 =	vld [tilespmem:s19+$0xFFFFFFC0];
	v1 =	vand.u32 $0xFFFF0000, v1;
	v2 =	vand.u32 $0xFFFF0000, v2;
	v6 =	vmul.f32 v7, v6  }
0x8e: {  	v7 =	vld [tilespmem:s20+$0xFFFFFFC0];
	v1 =	vmul.f32 v2, v1  }
0x8f: {  	v2 =	vld [tilespmem:s23+$0xFFFFFFC0];
	[tilespmem:s11+$0x10] =	vst v6  }
0x90: {  	v9 =	vshll.u32 v4, $0x10;
	v6 =	vshll.u32 v3, $0x10;
	[tilespmem:s11+$0x50] =	vst v1  }
0x91: {  	v1 =	vand.u32 $0xFFFF0000, v3;
	v3 =	vand.u32 $0xFFFF0000, v4;
	v4 =	vmul.f32 v9, v6;
	v6 =	vld [tilespmem:s19+$0x20]  }
0x92: {  	s10 =	sadd.s32 $0x100, s11;
	v10 =	vshll.u32 v8, $0x10;
	v9 =	vshll.u32 v5, $0x10;
	v1 =	vmul.f32 v3, v1;
	v3 =	vld [tilespmem:s21+$0x20]  }
0x93: {  	v8 =	vand.u32 $0xFFFF0000, v8;
	v5 =	vand.u32 $0xFFFF0000, v5;
	v9 =	vmul.f32 v9, v10;
	[tilespmem:s10+$0x0] =	vst v4  }
0x94: {  	v4 =	vmul.f32 v5, v8;
	v5 =	vshll.u32 v7, $0x10;
	v8 =	vshll.u32 v2, $0x10;
	[tilespmem:s10+$0x40] =	vst v1  }
0x95: {  	v1 =	vand.u32 $0xFFFF0000, v7;
	v2 =	vand.u32 $0xFFFF0000, v2;
	[tilespmem:s11+$0xFFFFFF80] =	vst v9;
	v5 =	vmul.f32 v5, v8;
	v7 =	vld [tilespmem:s23+$0x10]  }
0x96: {  	s15 =	sadd.s32 $0x80, s23;
	v1 =	vmul.f32 v1, v2;
	v2 =	vld [tilespmem:s20+$0x10];
	[tilespmem:s11+$0xFFFFFFC0] =	vst v4  }
0x97: {  	v12 =	vld [tilespmem:s15+$0xFFFFFFC0];
	[tilespmem:s10+$0xFFFFFF80] =	vst v5;
	v5 =	vshll.u32 v6, $0x10;
	v8 =	vshll.u32 v3, $0x10  }
0x98: {  	v4 =	vld [tilespmem:s19+$0xFFFFFFD0];
	[tilespmem:s10+$0xFFFFFFC0] =	vst v1;
	v1 =	vand.u32 $0xFFFF0000, v6;
	v3 =	vand.u32 $0xFFFF0000, v3;
	v5 =	vmul.f32 v8, v5  }
0x99: {  	v9 =	vld [tilespmem:s21+$0xFFFFFFD0];
	v1 =	vmul.f32 v3, v1  }
0x9a: {  	s13 =	sadd.s32 $0x80, s20;
	v3 =	vld [tilespmem:s15+$0x0];
	[tilespmem:s11+$0x20] =	vst v5  }
0x9b: {  	v5 =	vld [tilespmem:s13+$0x0];
	[tilespmem:s11+$0x60] =	vst v1;
	v1 =	vshll.u32 v7, $0x10;
	v8 =	vshll.u32 v2, $0x10  }
0x9c: {  	v6 =	vld [tilespmem:s23+$0xFFFFFFD0];
	v7 =	vand.u32 $0xFFFF0000, v7;
	v2 =	vand.u32 $0xFFFF0000, v2;
	v1 =	vmul.f32 v8, v1  }
0x9d: {  	v10 =	vld [tilespmem:s19+$0x30];
	v2 =	vmul.f32 v2, v7  }
0x9e: {  	v8 =	vld [tilespmem:s13+$0xFFFFFFC0];
	v7 =	vshll.u32 v4, $0x10;
	v11 =	vshll.u32 v9, $0x10;
	[tilespmem:s10+$0x10] =	vst v1  }
0x9f: {  	v1 =	vand.u32 $0xFFFF0000, v4;
	v4 =	vand.u32 $0xFFFF0000, v9;
	v7 =	vmul.f32 v11, v7;
	v9 =	vld [tilespmem:s21+$0x30];
	[tilespmem:s10+$0x50] =	vst v2  }
0xa0: {  	v2 =	vshll.u32 v3, $0x10;
	v1 =	vmul.f32 v4, v1;
	v11 =	vld [tilespmem:s23+$0x20];
	v4 =	vshll.u32 v5, $0x10  }
0xa1: {  	v3 =	vand.u32 $0xFFFF0000, v3;
	[tilespmem:s11+$0xFFFFFF90] =	vst v7;
	v5 =	vand.u32 $0xFFFF0000, v5;
	v2 =	vmul.f32 v4, v2;
	v4 =	vld [tilespmem:s20+$0x20]  }
0xa2: {  	s12 =	sadd.s32 $0x100, s10;
	[tilespmem:s11+$0xFFFFFFD0] =	vst v1;
	v1 =	vmul.f32 v5, v3;
	v3 =	vshll.u32 v6, $0x10  }
0xa3: {  	v5 =	vld [tilespmem:s20+$0xFFFFFFD0];
	v7 =	vshll.u32 v8, $0x10;
	v8 =	vand.u32 $0xFFFF0000, v8;
	[tilespmem:s12+$0x0] =	vst v2;
	v2 =	vshll.u32 v12, $0x10  }
0xa4: {  	v13 =	vld [tilespmem:s19+$0xFFFFFFE0];
	v12 =	vand.u32 $0xFFFF0000, v12;
	[tilespmem:s12+$0x40] =	vst v1;
	v1 =	vmul.f32 v7, v2;
	v2 =	vand.u32 $0xFFFF0000, v6  }
0xa5: {  	v6 =	vand.u32 $0xFFFF0000, v10;
	v7 =	vmul.f32 v8, v12;
	v8 =	vld [tilespmem:s15+$0x10];
	v12 =	vand.u32 $0xFFFF0000, v9  }
0xa6: {  	v14 =	vshll.u32 v11, $0x10;
	v9 =	vshll.u32 v9, $0x10;
	[tilespmem:s12+$0xFFFFFF80] =	vst v1;
	v1 =	vld [tilespmem:s13+$0x10];
	v15 =	vshll.u32 v4, $0x10  }
0xa7: {  	v16 =	vld [tilespmem:s21+$0xFFFFFFE0];
	[tilespmem:s12+$0xFFFFFFC0] =	vst v7;
	v7 =	vand.u32 $0xFFFF0000, v11;
	v4 =	vand.u32 $0xFFFF0000, v4;
	v11 =	vmul.f32 v15, v14  }
0xa8: {  	s16 =	sadd.s32 $0x80, s15;
	v6 =	vmul.f32 v12, v6;
	v12 =	vshll.u32 v5, $0x10;
	v14 =	vld [tilespmem:s15+$0xFFFFFFD0];
	v4 =	vmul.f32 v4, v7  }
0xa9: {  	s28 =	sadd.s32 $0x80, s13;
	v5 =	vand.u32 $0xFFFF0000, v5;
	v7 =	vshll.u32 v10, $0x10;
	v3 =	vmul.f32 v12, v3;
	v10 =	vld [tilespmem:s16+$0x0];
	[tilespmem:s10+$0x20] =	vst v11  }
0xaa: {  	v2 =	vmul.f32 v5, v2;
	v5 =	vshll.u32 v13, $0x10;
	v7 =	vmul.f32 v9, v7;
	v11 =	vld [tilespmem:s28+$0x0];
	[tilespmem:s10+$0x60] =	vst v4  }
0xab: {  	[tilespmem:s11+$0x70] =	vst v6;
	v4 =	vand.u32 $0xFFFF0000, v13;
	v12 =	vshll.u32 v8, $0x10;
	v15 =	vld [tilespmem:s23+$0x30];
	v13 =	vshll.u32 v1, $0x10  }
0xac: {  	v6 =	vand.u32 $0xFFFF0000, v8;
	[tilespmem:s10+$0xFFFFFF90] =	vst v3;
	v1 =	vand.u32 $0xFFFF0000, v1;
	v8 =	vmul.f32 v13, v12;
	v12 =	vld [tilespmem:s20+$0x30]  }
0xad: {  	v3 =	vshll.u32 v16, $0x10;
	[tilespmem:s10+$0xFFFFFFD0] =	vst v2;
	v13 =	vand.u32 $0xFFFF0000, v16;
	v16 =	vld [tilespmem:s28+$0xFFFFFFC0];
	v1 =	vmul.f32 v1, v6  }
0xae: {  	v3 =	vmul.f32 v3, v5;
	v5 =	vshll.u32 v14, $0x10;
	v6 =	vld [tilespmem:s16+$0xFFFFFFC0];
	v9 =	vshll.u32 v10, $0x10;
	[tilespmem:s12+$0x10] =	vst v8  }
0xaf: {  	v2 =	vand.u32 $0xFFFF0000, v10;
	v4 =	vmul.f32 v13, v4;
	v13 =	vld [tilespmem:s13+$0xFFFFFFD0];
	[tilespmem:s12+$0x50] =	vst v1;
	v10 =	vand.u32 $0xFFFF0000, v11  }
0xb0: {  	[tilespmem:s11+$0xFFFFFFA0] =	vst v3;
	v8 =	vand.u32 $0xFFFF0000, v14;
	v1 =	vshll.u32 v11, $0x10;
	v11 =	vld [tilespmem:s15+$0x20];
	v2 =	vmul.f32 v10, v2  }
0xb1: {  	s17 =	sadd.s32 $0x100, s12;
	v1 =	vmul.f32 v1, v9;
	v3 =	vld [tilespmem:s13+$0x20];
	v9 =	vand.u32 $0xFFFF0000, v15;
	[tilespmem:s11+$0xFFFFFFE0] =	vst v4;
	v4 =	vand.u32 $0xFFFF0000, v12  }
0xb2: {  	v10 =	vshll.u32 v16, $0x10;
	v14 =	vand.u32 $0xFFFF0000, v16;
	v16 =	vld [tilespmem:s23+$0xFFFFFFE0];
	[tilespmem:s17+$0x40] =	vst v2;
	v2 =	vshll.u32 v15, $0x10  }
0xb3: {  	[tilespmem:s17+$0x0] =	vst v1;
	v15 =	vld [tilespmem:s19+$0xFFFFFFF0];
	v1 =	vmul.f32 v4, v9;
	v4 =	vshll.u32 v6, $0x10;
	v6 =	vand.u32 $0xFFFF0000, v6  }
0xb4: {  	[tilespmem:s11+$0x30] =	vst v7;
	v9 =	vld [tilespmem:s20+$0xFFFFFFE0];
	v4 =	vmul.f32 v10, v4;
	v10 =	vshll.u32 v13, $0x10;
	v6 =	vmul.f32 v14, v6  }
0xb5: {  	v14 =	vld [tilespmem:s16+$0x10];
	[tilespmem:s10+$0x70] =	vst v1;
	v1 =	vand.u32 $0xFFFF0000, v13;
	v5 =	vmul.f32 v10, v5;
	v10 =	vshll.u32 v12, $0x10  }
0xb6: {  	v12 =	vshll.u32 v11, $0x10;
	v13 =	vshll.u32 v3, $0x10;
	v3 =	vand.u32 $0xFFFF0000, v3;
	[tilespmem:s17+$0xFFFFFF80] =	vst v4;
	v4 =	vld [tilespmem:s28+$0x10]  }
0xb7: {  	s18 =	sadd.s32 $0x80, s16;
	[tilespmem:s17+$0xFFFFFFC0] =	vst v6;
	v6 =	vand.u32 $0xFFFF0000, v11;
	v11 =	vmul.f32 v13, v12;
	v12 =	vld [tilespmem:s21+$0xFFFFFFF0];
	v7 =	vmul.f32 v1, v8  }
0xb8: {  	v13 =	vld [tilespmem:s18+$0x0];
	v10 =	vmul.f32 v10, v2;
	v1 =	vmul.f32 v3, v6;
	[tilespmem:s12+$0xFFFFFF90] =	vst v5  }
0xb9: {  	s21 =	sadd.s32 $0x80, s28;
	v8 =	vld [tilespmem:s16+$0xFFFFFFD0];
	v3 =	vshll.u32 v16, $0x10;
	v6 =	vand.u32 $0xFFFF0000, v16;
	[tilespmem:s12+$0x20] =	vst v11;
	v11 =	vshll.u32 v9, $0x10  }
0xba: {  	v16 =	vshll.u32 v15, $0x10;
	v17 =	vld [tilespmem:s21+$0x0];
	v9 =	vand.u32 $0xFFFF0000, v9;
	[tilespmem:s12+$0x60] =	vst v1;
	v3 =	vmul.f32 v11, v3  }
0xbb: {  	[tilespmem:s12+$0xFFFFFFD0] =	vst v7;
	v6 =	vmul.f32 v9, v6;
	v5 =	vshll.u32 v14, $0x10;
	v11 =	vld [tilespmem:s15+$0x30];
	v9 =	vshll.u32 v4, $0x10  }
0xbc: {  	v7 =	vand.u32 $0xFFFF0000, v14;
	v4 =	vand.u32 $0xFFFF0000, v4;
	[tilespmem:s10+$0xFFFFFFA0] =	vst v3;
	v3 =	vld [tilespmem:s21+$0xFFFFFFC0];
	v5 =	vmul.f32 v9, v5  }
0xbd: {  	v1 =	vand.u32 $0xFFFF0000, v15;
	v2 =	vand.u32 $0xFFFF0000, v12;
	[tilespmem:s10+$0xFFFFFFE0] =	vst v6;
	v9 =	vld [tilespmem:s13+$0x30];
	v4 =	vmul.f32 v4, v7  }
0xbe: {  	v6 =	vand.u32 $0xFFFF0000, v13;
	v14 =	vshll.u32 v8, $0x10;
	v15 =	vand.u32 $0xFFFF0000, v8;
	v7 =	vld [tilespmem:s18+$0xFFFFFFC0];
	[tilespmem:s17+$0x10] =	vst v5  }
0xbf: {  	v8 =	vshll.u32 v13, $0x10;
	v5 =	vshll.u32 v12, $0x10;
	v12 =	vshll.u32 v17, $0x10;
	[tilespmem:s17+$0x50] =	vst v4;
	v4 =	vld [tilespmem:s28+$0xFFFFFFD0]  }
0xc0: {  	v13 =	vand.u32 $0xFFFF0000, v17;
	v5 =	vmul.f32 v5, v16;
	v8 =	vmul.f32 v12, v8;
	v12 =	vld [tilespmem:s16+$0x20]  }
0xc1: {  	[tilespmem:s10+$0x30] =	vst v10;
	v6 =	vmul.f32 v13, v6;
	v13 =	vld [tilespmem:s28+$0x20];
	v16 =	vand.u32 $0xFFFF0000, v11;
	v18 =	vand.u32 $0xFFFF0000, v3  }
0xc2: {  	s19 =	sadd.s32 $0x100, s17;
	v19 =	vld [tilespmem:s15+$0xFFFFFFE0];
	v17 =	vand.u32 $0xFFFF0000, v9;
	[tilespmem:s11+$0xFFFFFFB0] =	vst v5;
	v5 =	vshll.u32 v3, $0x10;
	v3 =	vshll.u32 v11, $0x10  }
0xc3: {  	[tilespmem:s19+$0x0] =	vst v8;
	v8 =	vmul.f32 v17, v16;
	v16 =	vshll.u32 v7, $0x10;
	v17 =	vand.u32 $0xFFFF0000, v7;
	v7 =	vld [tilespmem:s13+$0xFFFFFFE0]  }
0xc4: {  	[tilespmem:s19+$0x40] =	vst v6;
	v6 =	vmul.f32 v5, v16;
	v11 =	vmul.f32 v18, v17;
	v16 =	vshll.u32 v4, $0x10;
	v5 =	vld [tilespmem:s23+$0xFFFFFFF0]  }
0xc5: {  	v10 =	vld [tilespmem:s21+$0x10];
	v17 =	vand.u32 $0xFFFF0000, v4;
	v4 =	vshll.u32 v9, $0x10;
	[tilespmem:s12+$0x70] =	vst v8;
	v16 =	vmul.f32 v16, v14  }
0xc6: {  	v8 =	vld [tilespmem:s18+$0x10];
	v9 =	vmul.f32 v17, v15;
	v14 =	vshll.u32 v13, $0x10;
	[tilespmem:s19+$0xFFFFFF80] =	vst v6;
	v6 =	vshll.u32 v12, $0x10  }
0xc7: {  	s24 =	sshll.u32 s9, $0xD;
	s29 =	sadd.s32 $0x80, s18;
	v13 =	vand.u32 $0xFFFF0000, v13;
	[tilespmem:s19+$0xFFFFFFC0] =	vst v11;
	v12 =	vand.u32 $0xFFFF0000, v12;
	v14 =	vmul.f32 v14, v6;
	v6 =	vld [tilespmem:s20+$0xFFFFFFF0]  }
0xc8: {  	s23 =	smov.u32 s21;
	s20 =	sadd.s32 $0x17C00, s24;
	s24 =	simm.s32 $0x8;
	v11 =	vld [tilespmem:s18+$0xFFFFFFD0];
	[tilespmem:s17+$0xFFFFFF90] =	vst v16;
	v15 =	vmul.f32 v13, v12;
	v13 =	vshll.u32 v19, $0x10;
	v12 =	vand.u32 $0xFFFF0000, v19  }
.LBB2_5:
0xc9: {  	v16 =	vld [tilespmem:s29+$0x0];
	s21 =	sadd.s32 $0x80, s21;
	[tilespmem:s17+$0x20] =	vst v14;
	v14 =	vshll.u32 v7, $0x10;
	v7 =	vand.u32 $0xFFFF0000, v7;
	v17 =	vshll.u32 v5, $0x10  }
0xca: {  	v5 =	vand.u32 $0xFFFF0000, v5;
	v18 =	vld [tilespmem:s21+$0x0];
	[tilespmem:s17+$0x60] =	vst v15;
	v13 =	vmul.f32 v14, v13;
	v7 =	vmul.f32 v7, v12  }
0xcb: {  	v12 =	vshll.u32 v8, $0x10;
	v15 =	vmul.f32 v2, v1;
	v1 =	vmovc v5;
	v14 =	vshll.u32 v10, $0x10;
	[tilespmem:s17+$0xFFFFFFD0] =	vst v9;
	v9 =	vld [tilespmem:s16+$0x30]  }
0xcc: {  	v2 =	vand.u32 $0xFFFF0000, v8;
	v5 =	vand.u32 $0xFFFF0000, v10;
	v8 =	vmul.f32 v14, v12;
	v10 =	vld [tilespmem:s28+$0x30];
	[tilespmem:s12+$0xFFFFFFA0] =	vst v13  }
0xcd: {  	v5 =	vmul.f32 v5, v2;
	v12 =	vld [tilespmem:s21+$0xFFFFFFC0];
	v13 =	vshll.u32 v11, $0x10;
	v11 =	vand.u32 $0xFFFF0000, v11;
	[tilespmem:s12+$0xFFFFFFE0] =	vst v7  }
0xce: {  	v14 =	vmul.f32 v4, v3;
	v3 =	vshll.u32 v6, $0x10;
	v2 =	vand.u32 $0xFFFF0000, v6;
	v7 =	vld [tilespmem:s29+$0xFFFFFFC0];
	[tilespmem:s19+$0x10] =	vst v8  }
0xcf: {  	v3 =	vmul.f32 v3, v17;
	v4 =	vshll.u32 v16, $0x10;
	v6 =	vshll.u32 v18, $0x10;
	v19 =	vld [tilespmem:s23+$0xFFFFFFD0];
	[tilespmem:s19+$0x50] =	vst v5  }
0xd0: {  	v5 =	vand.u32 $0xFFFF0000, v16;
	v8 =	vand.u32 $0xFFFF0000, v18;
	v4 =	vmul.f32 v6, v4;
	v6 =	vld [tilespmem:s18+$0x20];
	[tilespmem:s11+$0xFFFFFFF0] =	vst v15;
	s11 =	smov.u32 s10;
	s10 =	smov.u32 s12;
	s12 =	smov.u32 s17  }
0xd1: {  	s24 =	sadd.s32 $0x2, s24;
	v5 =	vmul.f32 v8, v5;
	v8 =	vand.u32 $0xFFFF0000, v9;
	s17 =	smov.u32 s19;
	s19 =	sadd.s32 $0x100, s19;
	v15 =	vld [tilespmem:s23+$0x20];
	v16 =	vand.u32 $0xFFFF0000, v10;
	[tilespmem:s11+$0xFFFFFFB0] =	vst v3  }
0xd2: {  	p1 =	slt.u32 s24, $0x3E;
	v17 =	vshll.u32 v12, $0x10;
	v12 =	vand.u32 $0xFFFF0000, v12;
	[tilespmem:s19+$0x0] =	vst v4;
	v18 =	vld [tilespmem:s16+$0xFFFFFFE0];
	v4 =	vmul.f32 v16, v8  }
0xd3: {  	v3 =	vshll.u32 v9, $0x10;
	v8 =	vshll.u32 v7, $0x10;
	v16 =	vand.u32 $0xFFFF0000, v7;
	[tilespmem:s19+$0x40] =	vst v5;
	v7 =	vld [tilespmem:s28+$0xFFFFFFE0]  }
.Ltmp1:
0xd4: {  	v9 =	vmul.f32 v17, v8;
	v12 =	vmul.f32 v12, v16;
	v16 =	vshll.u32 v19, $0x10;
	[tilespmem:s12+$0x70] =	vst v4;
	v5 =	vld [tilespmem:s15+$0xFFFFFFF0];
	s15 =	smov.u32 s16;
	s16 =	smov.u32 s18;
	(pc) =	sbr.rel @p1 .LBB2_5-.Ltmp1, $4  }
0xd5: {  	v17 =	vand.u32 $0xFFFF0000, v19;
	v4 =	vshll.u32 v10, $0x10;
	s18 =	smov.u32 s29;
	v8 =	vld [tilespmem:s29+$0x10];
	v13 =	vmul.f32 v16, v13;
	[tilespmem:s10+$0x30] =	vst v14  }
0xd6: {  	[tilespmem:s19+$0xFFFFFF80] =	vst v9;
	v10 =	vld [tilespmem:s21+$0x10];
	v9 =	vmul.f32 v17, v11;
	v11 =	vshll.u32 v6, $0x10;
	v14 =	vshll.u32 v15, $0x10  }
0xd7: {  	v15 =	vand.u32 $0xFFFF0000, v15;
	[tilespmem:s19+$0xFFFFFFC0] =	vst v12;
	v12 =	vand.u32 $0xFFFF0000, v6;
	v14 =	vmul.f32 v14, v11;
	v6 =	vld [tilespmem:s13+$0xFFFFFFF0];
	s13 =	smov.u32 s28;
	s28 =	smov.u32 s23;
	s23 =	smov.u32 s21  }
0xd8: {  	s29 =	sadd.s32 $0x80, s29;
	v11 =	vld [tilespmem:s18+$0xFFFFFFD0];
	[tilespmem:s17+$0xFFFFFF90] =	vst v13;
	v15 =	vmul.f32 v15, v12;
	v13 =	vshll.u32 v18, $0x10;
	v12 =	vand.u32 $0xFFFF0000, v18  }
0xd9: {  	_ =	sdelay $0x1  }
0xda: {  	v16 =	vshll.u32 v8, $0x10;
	v17 =	vshll.u32 v10, $0x10  }
0xdb: {  	v21 =	vld [tilespmem:s23+$0xFFFFFFD0];
	v63 =	vand.u32 $0xFFFF0000, v8;
	v20 =	vand.u32 $0xFFFF0000, v10;
	v16 =	vmul.f32 v17, v16  }
0xdc: {  	v8 =	vmul.f32 v20, v63  }
0xdd: {  	[tilespmem:s19+$0x10] =	vst v16  }
0xde: {  	[tilespmem:s19+$0x50] =	vst v8  }
0xdf: {  	v8 =	vld [tilespmem:s18+$0x20]  }
0xe0: {  	[tilespmem:s17+$0xFFFFFFD0] =	vst v9;
	v22 =	vshll.u32 v11, $0x10;
	v24 =	vshll.u32 v21, $0x10;
	v23 =	vld [tilespmem:s23+$0x20]  }
0xe1: {  	[tilespmem:s17+$0x20] =	vst v14;
	v29 =	vld [tilespmem:s16+$0xFFFFFFE0];
	v26 =	vand.u32 $0xFFFF0000, v11;
	v27 =	vand.u32 $0xFFFF0000, v21;
	v10 =	vmul.f32 v24, v22  }
0xe2: {  	[tilespmem:s17+$0x60] =	vst v15;
	v31 =	vld [tilespmem:s28+$0xFFFFFFE0];
	v11 =	vmul.f32 v27, v26  }
0xe3: {  	v28 =	vshll.u32 v7, $0x10;
	v1 =	vmul.f32 v2, v1;
	v25 =	vld [tilespmem:s16+$0x30];
	[tilespmem:s19+$0xFFFFFF90] =	vst v10  }
0xe4: {  	v30 =	vand.u32 $0xFFFF0000, v7;
	v13 =	vmul.f32 v28, v13;
	v32 =	vld [tilespmem:s28+$0x30];
	[tilespmem:s19+$0xFFFFFFD0] =	vst v11  }
0xe5: {  	v7 =	vmul.f32 v30, v12;
	[tilespmem:s11+$0xFFFFFFF0] =	vst v1;
	v34 =	vld [tilespmem:s18+$0xFFFFFFE0];
	v2 =	vshll.u32 v8, $0x10;
	v33 =	vshll.u32 v23, $0x10  }
0xe6: {  	[tilespmem:s12+$0xFFFFFFA0] =	vst v13;
	v37 =	vld [tilespmem:s23+$0xFFFFFFE0];
	v35 =	vand.u32 $0xFFFF0000, v8;
	v36 =	vand.u32 $0xFFFF0000, v23;
	v2 =	vmul.f32 v33, v2  }
0xe7: {  	[tilespmem:s12+$0xFFFFFFE0] =	vst v7;
	v1 =	vmul.f32 v36, v35  }
0xe8: {  	v3 =	vmul.f32 v4, v3;
	v41 =	vld [tilespmem:s15+$0xFFFFFFF0];
	v16 =	vand.u32 $0xFFFF0000, v29;
	v15 =	vand.u32 $0xFFFF0000, v31;
	[tilespmem:s19+$0x20] =	vst v2  }
0xe9: {  	v43 =	vld [tilespmem:s13+$0xFFFFFFF0];
	v42 =	vshll.u32 v29, $0x10;
	v45 =	vmul.f32 v15, v16;
	v2 =	vshll.u32 v31, $0x10;
	[tilespmem:s19+$0x60] =	vst v1  }
0xea: {  	[tilespmem:s12+$0x30] =	vst v3;
	v44 =	vand.u32 $0xFFFF0000, v32;
	v1 =	vmul.f32 v2, v42;
	v2 =	vand.u32 $0xFFFF0000, v25;
	v46 =	vld [tilespmem:s18+$0x30]  }
0xeb: {  	[tilespmem:s17+$0xFFFFFFE0] =	vst v45;
	v49 =	vand.u32 $0xFFFF0000, v34;
	v11 =	vand.u32 $0xFFFF0000, v37;
	v47 =	vld [tilespmem:s23+$0x30];
	v2 =	vmul.f32 v44, v2  }
0xec: {  	v48 =	vshll.u32 v37, $0x10;
	v7 =	vmul.f32 v11, v49;
	[tilespmem:s17+$0xFFFFFFA0] =	vst v1;
	v1 =	vshll.u32 v34, $0x10  }
0xed: {  	v38 =	vshll.u32 v5, $0x10;
	v39 =	vshll.u32 v6, $0x10;
	v1 =	vmul.f32 v48, v1;
	[tilespmem:s17+$0x70] =	vst v2;
	v2 =	vld [tilespmem:s16+$0xFFFFFFF0]  }
0xee: {  	v50 =	vand.u32 $0xFFFF0000, v5;
	v51 =	vand.u32 $0xFFFF0000, v6;
	v40 =	vmul.f32 v39, v38;
	[tilespmem:s19+$0xFFFFFFE0] =	vst v7;
	v52 =	vld [tilespmem:s28+$0xFFFFFFF0]  }
0xef: {  	v4 =	vmul.f32 v51, v50;
	v53 =	vshll.u32 v43, $0x10;
	[tilespmem:s19+$0xFFFFFFA0] =	vst v1;
	v1 =	vshll.u32 v41, $0x10  }
0xf0: {  	[tilespmem:s10+$0xFFFFFFB0] =	vst v40;
	v3 =	vand.u32 $0xFFFF0000, v46;
	v54 =	vand.u32 $0xFFFF0000, v47;
	v1 =	vmul.f32 v53, v1;
	v7 =	vld [tilespmem:s18+$0xFFFFFFF0]  }
0xf1: {  	[tilespmem:s10+$0xFFFFFFF0] =	vst v4;
	v9 =	vshll.u32 v25, $0x10;
	v10 =	vshll.u32 v32, $0x10;
	v3 =	vmul.f32 v54, v3;
	v55 =	vld [tilespmem:s23+$0xFFFFFFF0]  }
0xf2: {  	v56 =	vand.u32 $0xFFFF0000, v41;
	v57 =	vmul.f32 v10, v9;
	v58 =	vand.u32 $0xFFFF0000, v43;
	[tilespmem:s12+$0xFFFFFFB0] =	vst v1  }
0xf3: {  	[tilespmem:s19+$0x70] =	vst v3;
	v1 =	vshll.u32 v2, $0x10;
	v3 =	vmul.f32 v58, v56;
	v59 =	vshll.u32 v52, $0x10  }
0xf4: {  	[tilespmem:s17+$0x30] =	vst v57;
	v60 =	vshll.u32 v46, $0x10;
	v61 =	vshll.u32 v47, $0x10;
	v1 =	vmul.f32 v59, v1  }
0xf5: {  	v62 =	vmul.f32 v61, v60;
	v2 =	vand.u32 $0xFFFF0000, v2;
	v6 =	vand.u32 $0xFFFF0000, v52;
	[tilespmem:s12+$0xFFFFFFF0] =	vst v3  }
0xf6: {  	v2 =	vmul.f32 v6, v2;
	[tilespmem:s17+$0xFFFFFFB0] =	vst v1;
	v1 =	vshll.u32 v7, $0x10;
	v3 =	vshll.u32 v55, $0x10  }
0xf7: {  	p1 =	sne.s32 s1, $0xA0;
	[tilespmem:s19+$0x30] =	vst v62;
	v63 =	vand.u32 $0xFFFF0000, v7;
	v4 =	vand.u32 $0xFFFF0000, v55;
	v1 =	vmul.f32 v3, v1  }
.Ltmp2:
0xf8: {  	s0 =	sshll.u32 s0, $0x6;
	[tilespmem:s17+$0xFFFFFFF0] =	vst v2;
	v2 =	vmul.f32 v4, v63;
	(pc) =	sbr.rel @p1 .LBB2_4-.Ltmp2, $4  }
0xf9: {  	s0 =	sand.u32 $0x3C0, s0;
	[tilespmem:s19+$0xFFFFFFB0] =	vst v1  }
0xfa: {  	s9 =	sadd.s32 $0x5, s9;
	s0 =	sor.u32 $0x1C000, s0;
	[tilespmem:s19+$0xFFFFFFF0] =	vst v2  }
0xfb: {  	[spmem:s2] =	stream.indirect.scatter.add.f32 [tilespmem:s20], [sflag:s9], $0x80, s0, s31, $0xb8;
	[tilespmem:$0x1C400] =	vst v63  }
0xfc: {  	p0 =	por !p0, !p0;
	s0 =	smov.u32 s1  }
0xfd: {  	s0 =	simm.s32 $0x5  }
0xfe: {  	_ =	swait.ge [sflag:s0], $0x2000  }
0xff: {  	[sflag:s0] =	ssyncset.done $0x0  }
0x100: {  	[sflag:s0] =	ssyncadd.s32 $0xFFFFE000  }
0x101: {  	_ =	swait.ge [sflag:s30], $0x2000  }
0x102: {  	[sflag:s30] =	ssyncset.done $0x0  }
0x103: {  	s28 =	stileid.u32;
	[sflag:s30] =	ssyncadd.s32 $0xFFFFE000  }
0x104: {  	s0 =	sshll.u32 s28, $0x6;
	[bflag:$0x0] =	sbarrier.arrive $0xFFFF  }
0x105: {  	s1 =	sshrl.u32 s8, $0x3;
	s0 =	sor.u32 $0x1C07, s0;
	s9 =	rddreg [dreg:$0xf]  }
0x106: {  	[hbm:s9], [sflag:s0] =	dma.local [spmem:s1], $0x2780  }
0x107: {  	_ =	swait.ge [sflag:s26], $0x2780  }
0x108: {  	s3 =	sadd.s32 $0x1, s3;
	s29 =	rddreg [dreg:$0x10]  }
0x109: {  	p0 =	sne.s32 s3, s29  }
.Ltmp3:
0x10a: {  	_ = 	snop;
	(pc) =	sbr.rel @p0 .LBB2_1-.Ltmp3, $3  }
0x10b: {  	_ =	sdelay $0x1  }
0x10c: {  	[sflag:s26] =	ssyncset.done $0x0  }
0x10d: {  	[sflag:s26] =	ssyncadd.s32 $0xFFFFD880  }
0x10e: {  	_ =	sfence.sel $0x180000  }
0x10f: {  	[bflag:$0x0] =	sbarrier.arrive $0xFFFF  }
0x110: {  	_ =	strace $0x90000047  }
0x111: {  	s0 =	stileid.u32;
	[bflag:$0x2] =	sbarrier.arrive $0xFFFF  }
0x112: {  	p0 =	sne.s32 s0, $0x0;
	s0 =	rddreg [dreg:$0x2]  }
0x113: {  	s0 =	sadd.s32 @!p0 $0x100000, s0  }
0x114: {  	[sflag:s0] =	ssyncadd.tile.s32 @!p0 $0x1;
	_ =	shalt  }
.Lfunc_end2:
_tile_overlayer_lowered:
.L_overlay_start_2:
0x115: {  	(tag) =	ssettag $0x2  }
0x116: {  	s0 =	rddreg [dreg:$0x0];
	s2 =	stileid.u32  }
0x117: {  	s1 =	rddreg [dreg:$0x1];
	p0 =	sne.s32 s2, $0x0  }
0x118: {  	s3 =	rddreg [dreg:$0x2];
	[bflag:$0x3] =	sbarrier.arrive $0xFFFF;
	s2 =	simm.s32 @!p0 $0x1C07  }
0x119: {  	[timem:s3], [sflag:s2] =	dma.local @!p0 [hbm:s0], s1  }
0x11a: {  	s0 =	simm.s32 @!p0 $0x7  }
0x11b: {  	_ =	swait.ge @!p0 [sflag:s0], s1  }
0x11c: {  	s1 =	ssub.s32 @!p0 $0x0, s1;
	[sflag:s0] =	ssyncset.done @!p0 $0x0  }
0x11d: {  	[sflag:s0] =	ssyncadd.s32 @!p0 s1  }
0x11e: {  	[bflag:$0x3] =	sbarrier.arrive $0xFFFF  }
0x11f: {  	_ =	shalt  }

</sc_bundles>
